<compile_context>
chip_gen: v7x
topology: tpu7x:2x2x1
jax: 0.10.2.dev20260603
libtpu: 0.0.44.dev20260713+nightly
codegen_flags: <defaults>
</compile_context>

<pallas_src>
import functools

import jax
import jax.numpy as jnp
from jax import lax
from jax.experimental import pallas as pl
from jax.experimental.pallas import tpu as pltpu
from jax.experimental.pallas import tpu_sc as plsc

N = 10000
E = 320000
D = 128
H = 128
NA = 8000
EA = 204800

NC = 2
NS = 16
L = 16

K = 80
N_PAD = 10240
NA_PAD = 8192
DEG_PAD = 10240

def _sc_segment_sums(xw, src, dst, perm, a1n, a1src, a1dst, a2n, a2src, a2dst):
    mesh = plsc.VectorSubcoreMesh(core_axis_name="c", subcore_axis_name="s")

    out_type = (
        jax.ShapeDtypeStruct((N_PAD, H), jnp.float32),
        jax.ShapeDtypeStruct((N_PAD, H), jnp.float32),
        jax.ShapeDtypeStruct((NA_PAD, H), jnp.float32),
        jax.ShapeDtypeStruct((NA_PAD, H), jnp.float32),
        jax.ShapeDtypeStruct((DEG_PAD,), jnp.float32),
        jax.ShapeDtypeStruct((DEG_PAD,), jnp.float32),
        jax.ShapeDtypeStruct((DEG_PAD,), jnp.float32),
    )

    scratch = [
        pltpu.VMEM_SHARED((N_PAD, H), jnp.float32),
        pltpu.VMEM_SHARED((DEG_PAD,), jnp.float32),
        pltpu.VMEM((K,), jnp.int32),
        pltpu.VMEM((K,), jnp.int32),
        pltpu.VMEM((K,), jnp.int32),
        pltpu.VMEM((K, H), jnp.float32),
        pltpu.VMEM((K,), jnp.float32),
        pltpu.VMEM((128, H), jnp.float32),
        pltpu.VMEM((640,), jnp.float32),
        pltpu.SemaphoreType.DMA,
    ]

    @functools.partial(pl.kernel, out_type=out_type, mesh=mesh,
                       scratch_types=scratch)
    def k(xw_h, src_h, dst_h, perm_h, a1n_h, a1src_h, a1dst_h, a2n_h,
          a2src_h, a2dst_h,
          aggp_h, aggn_h, agg1_h, agg2_h, deg_h, deg1_h, deg2_h,
          acc_sh, deg_sh, src_v, dst_v, idx_v, rows_v, ones_v,
          zrow_v, zdeg_v, sem):
        cid = lax.axis_index("c")
        sid = lax.axis_index("s")
        _Z16 = jnp.zeros((L,), jnp.float32)
        _O16 = jnp.ones((L,), jnp.float32)

        def _zr(i, c):
            for j in range(H // L):
                zrow_v[i, pl.ds(j * L, L)] = _Z16
            return c
        lax.fori_loop(0, 128, _zr, 0)
        for j in range(640 // L):
            zdeg_v[pl.ds(j * L, L)] = _Z16
        for j in range(K // L):
            ones_v[pl.ds(j * L, L)] = _O16

        def zero_acc(nrows_per_tile):
            r0 = sid * nrows_per_tile
            for j in range(nrows_per_tile // 128):
                pltpu.sync_copy(zrow_v, acc_sh.at[pl.ds(r0 + j * 128, 128)])
            pltpu.sync_copy(zdeg_v, deg_sh.at[pl.ds(sid * 640, 640)])

        def edge_pass(nedges, esrc_h, edst_h, tbl_h, do_deg):
            per_tile = nedges // NS
            nchunks = per_tile // K
            base0 = sid * per_tile

            def chunk(i, c):
                base = base0 + i * K
                pltpu.sync_copy(esrc_h.at[pl.ds(base, K)], src_v)
                pltpu.sync_copy(edst_h.at[pl.ds(base, K)], dst_v)
                if tbl_h is not None:
                    pltpu.async_copy(tbl_h.at[src_v], idx_v, sem).wait()
                    gidx = idx_v
                else:
                    gidx = src_v
                pltpu.async_copy(xw_h.at[gidx], rows_v, sem).wait()
                pltpu.sync_copy(rows_v, acc_sh.at[dst_v], add=True)
                if do_deg:
                    pltpu.sync_copy(ones_v, deg_sh.at[dst_v], add=True)
                return c
            lax.fori_loop(0, nchunks, chunk, 0)

        def copy_out(nrows_per_tile, agg_out, deg_out):
            r0 = sid * nrows_per_tile
            pltpu.sync_copy(acc_sh.at[pl.ds(r0, nrows_per_tile)],
                            agg_out.at[pl.ds(r0, nrows_per_tile)])
            if deg_out is not None:
                pltpu.sync_copy(deg_sh.at[pl.ds(sid * 640, 640)],
                                deg_out.at[pl.ds(sid * 640, 640)])

        zero_acc(N_PAD // NS)
        plsc.subcore_barrier()

        @pl.when(cid == 0)
        def _():
            edge_pass(E, src_h, dst_h, None, do_deg=True)

        @pl.when(cid == 1)
        def _():
            edge_pass(E, src_h, dst_h, perm_h, do_deg=False)

        plsc.subcore_barrier()

        @pl.when(cid == 0)
        def _():
            copy_out(N_PAD // NS, aggp_h, deg_h)

        @pl.when(cid == 1)
        def _():
            copy_out(N_PAD // NS, aggn_h, None)

        plsc.subcore_barrier()

        zero_acc(NA_PAD // NS)
        plsc.subcore_barrier()

        @pl.when(cid == 0)
        def _():
            edge_pass(EA, a1src_h, a1dst_h, a1n_h, do_deg=True)

        @pl.when(cid == 1)
        def _():
            edge_pass(EA, a2src_h, a2dst_h, a2n_h, do_deg=True)

        plsc.subcore_barrier()

        @pl.when(cid == 0)
        def _():
            copy_out(NA_PAD // NS, agg1_h, deg1_h)

        @pl.when(cid == 1)
        def _():
            copy_out(NA_PAD // NS, agg2_h, deg2_h)

    return k(xw, src, dst, perm, a1n, a1src, a1dst, a2n, a2src, a2dst)


def _mm_kernel(x_ref, w_ref, o_ref):
    o_ref[...] = jnp.dot(x_ref[...], w_ref[...],
                         preferred_element_type=jnp.float32)


def _summary_kernel(a1_ref, a2_ref, d1_ref, d2_ref, o_ref):
    @pl.when(pl.program_id(0) == 0)
    def _():
        o_ref[...] = jnp.zeros_like(o_ref)
    h1 = jnp.maximum(a1_ref[...], 0.0) / jnp.maximum(d1_ref[...], 1.0)
    h2 = jnp.maximum(a2_ref[...], 0.0) / jnp.maximum(d2_ref[...], 1.0)
    o_ref[0:1, :] += jnp.sum(h1, axis=0, keepdims=True)
    o_ref[1:2, :] += jnp.sum(h2, axis=0, keepdims=True)


def _loss_kernel(ap_ref, an_ref, deg_ref, ssum_ref, wd_ref, o_ref, *, nsteps):
    s = jax.nn.sigmoid(ssum_ref[...] / NA)
    dinv = 1.0 / jnp.maximum(deg_ref[...], 1.0)
    hp = jnp.maximum(ap_ref[...], 0.0) * dinv
    hn = jnp.maximum(an_ref[...], 0.0) * dinv
    dn = (((1,), (1,)), ((), ()))
    lp = lax.dot_general(jnp.dot(hp, wd_ref[...],
                                 preferred_element_type=jnp.float32), s, dn,
                         preferred_element_type=jnp.float32)
    ln = lax.dot_general(jnp.dot(hn, wd_ref[...],
                                 preferred_element_type=jnp.float32), s, dn,
                         preferred_element_type=jnp.float32)
    part = jnp.sum(jax.nn.softplus(lp) - lp) + jnp.sum(jax.nn.softplus(ln))

    @pl.when(pl.program_id(0) == 0)
    def _():
        o_ref[...] = jnp.zeros_like(o_ref)
    o_ref[...] += part.reshape(1, 1)

    @pl.when(pl.program_id(0) == nsteps - 1)
    def _():
        o_ref[...] = o_ref[...] / N


def kernel(x, edge_index, perm, aug1_nodes, aug1_edge_index, aug2_nodes,
           aug2_edge_index, W, Wd):
    xw = pl.pallas_call(
        _mm_kernel,
        grid=(10,),
        in_specs=[pl.BlockSpec((N // 10, D), lambda i: (i, 0)),
                  pl.BlockSpec((D, H), lambda i: (0, 0))],
        out_specs=pl.BlockSpec((N // 10, H), lambda i: (i, 0)),
        out_shape=jax.ShapeDtypeStruct((N, H), jnp.float32),
    )(x, W)

    src = edge_index[0]
    dst = edge_index[1]
    a1src = aug1_edge_index[0]
    a1dst = aug1_edge_index[1]
    a2src = aug2_edge_index[0]
    a2dst = aug2_edge_index[1]

    aggp, aggn, agg1, agg2, degp, deg1p, deg2p = _sc_segment_sums(
        xw, src, dst, perm, aug1_nodes, a1src, a1dst, aug2_nodes, a2src,
        a2dst)

    aggp = aggp[:N]
    aggn = aggn[:N]
    agg1 = agg1[:NA]
    agg2 = agg2[:NA]
    deg = degp[:N, None]
    deg1 = deg1p[:NA, None]
    deg2 = deg2p[:NA, None]

    ssum = pl.pallas_call(
        _summary_kernel,
        grid=(8,),
        in_specs=[pl.BlockSpec((NA // 8, H), lambda i: (i, 0)),
                  pl.BlockSpec((NA // 8, H), lambda i: (i, 0)),
                  pl.BlockSpec((NA // 8, 1), lambda i: (i, 0)),
                  pl.BlockSpec((NA // 8, 1), lambda i: (i, 0))],
        out_specs=pl.BlockSpec((2, H), lambda i: (0, 0)),
        out_shape=jax.ShapeDtypeStruct((2, H), jnp.float32),
    )(agg1, agg2, deg1, deg2)

    loss = pl.pallas_call(
        functools.partial(_loss_kernel, nsteps=10),
        grid=(10,),
        in_specs=[pl.BlockSpec((N // 10, H), lambda i: (i, 0)),
                  pl.BlockSpec((N // 10, H), lambda i: (i, 0)),
                  pl.BlockSpec((N // 10, 1), lambda i: (i, 0)),
                  pl.BlockSpec((2, H), lambda i: (0, 0)),
                  pl.BlockSpec((H, H), lambda i: (0, 0))],
        out_specs=pl.BlockSpec((1, 1), lambda i: (0, 0)),
        out_shape=jax.ShapeDtypeStruct((1, 1), jnp.float32),
    )(aggp, aggn, deg, ssum, Wd)

    return loss[0, 0]

# --- scband reference (transcript-rebuilt; emitter-appended) ---
"""Pipeline reference for scband-dgisubgraph-cl-24292335026459 (READ-ONLY COPY).

The authoritative reference and input builder live on the scoring server;
editing this copy changes nothing except your own understanding.
"""

import jax, jax.numpy as jnp
import numpy as np

N = 10000
E = 320000
D = 128
H = 128
NA = 8000
EA = 204800


def setup_inputs(seed: int = 0) -> dict:
    key = jax.random.key(seed)
    ks = jax.random.split(key, 10)
    x = jax.random.normal(ks[0], (N, D), dtype=jnp.float32)
    edge_index = jax.random.randint(ks[1], (2, E), 0, N, dtype=jnp.int32)
    perm = jax.random.permutation(ks[2], N).astype(jnp.int32)
    aug1_nodes = jax.random.randint(ks[3], (NA,), 0, N, dtype=jnp.int32)
    aug1_edge_index = jax.random.randint(ks[4], (2, EA), 0, NA, dtype=jnp.int32)
    aug2_nodes = jax.random.randint(ks[5], (NA,), 0, N, dtype=jnp.int32)
    aug2_edge_index = jax.random.randint(ks[6], (2, EA), 0, NA, dtype=jnp.int32)
    W = jax.random.normal(ks[7], (D, H), dtype=jnp.float32) * 0.1
    Wd = jax.random.normal(ks[8], (H, H), dtype=jnp.float32) * 0.1
    return {"x": x, "edge_index": edge_index, "perm": perm,
            "aug1_nodes": aug1_nodes, "aug1_edge_index": aug1_edge_index,
            "aug2_nodes": aug2_nodes, "aug2_edge_index": aug2_edge_index,
            "W": W, "Wd": Wd}


def _gcn_encoder(feat, edge_index, n_nodes, W):
    # mean-aggregation GCN layer: gather src feats, scatter-add to dst, normalize by degree
    src = edge_index[0]
    dst = edge_index[1]
    msg = jnp.take(feat, src, axis=0)
    agg = jax.ops.segment_sum(msg, dst, num_segments=n_nodes)
    deg = jax.ops.segment_sum(jnp.ones((edge_index.shape[1],), jnp.float32), dst, num_segments=n_nodes)
    h = agg / jnp.clip(deg, 1.0)[:, None]
    return jax.nn.relu(h @ W)


def _discriminator(features, summary, Wd):
    # features @ (Wd @ summary) -> [N] logits
    return features @ (Wd @ summary)


def _bce_with_logits(logits, targets):
    # mean of softplus(logit) - target * logit (BCEWithLogitsLoss)
    return jnp.mean(jax.nn.softplus(logits) - targets * logits)


def reference(x, edge_index, perm, aug1_nodes, aug1_edge_index, aug2_nodes, aug2_edge_index, W, Wd):
    positive = _gcn_encoder(x, edge_index, N, W)
    negative = _gcn_encoder(jnp.take(x, perm, axis=0), edge_index, N, W)
    aug1 = _gcn_encoder(jnp.take(x, aug1_nodes, axis=0), aug1_edge_index, NA, W)
    aug2 = _gcn_encoder(jnp.take(x, aug2_nodes, axis=0), aug2_edge_index, NA, W)
    summary_aug1 = jax.nn.sigmoid(aug1.mean(axis=0))
    summary_aug2 = jax.nn.sigmoid(aug2.mean(axis=0))
    pos_logit1 = _discriminator(positive, summary_aug1, Wd)
    neg_logit1 = _discriminator(negative, summary_aug1, Wd)
    pos_logit2 = _discriminator(positive, summary_aug2, Wd)
    neg_logit2 = _discriminator(negative, summary_aug2, Wd)
    aug1_loss = _bce_with_logits(pos_logit1, jnp.ones_like(pos_logit1)) + _bce_with_logits(neg_logit1, jnp.zeros_like(neg_logit1))
    aug2_loss = _bce_with_logits(pos_logit2, jnp.ones_like(pos_logit2)) + _bce_with_logits(neg_logit2, jnp.zeros_like(neg_logit2))
    return aug1_loss + aug2_loss

if __name__ == "__main__":
    import jax
    _d = setup_inputs()
    print(jax.jit(kernel)(*tuple(_d.values())))

</pallas_src>

<mosaic_0001>
#map = affine_map<(d0, d1) -> (0, 0)>
#map1 = affine_map<(d0, d1) -> (0)>
module attributes {stable_mosaic.version = 14 : i64} {
  func.func @k(%arg0: i32, %arg1: i32, %arg2: memref<10000x128xf32, #tpu.memory_space<hbm>>, %arg3: memref<320000xi32, #tpu.memory_space<hbm>>, %arg4: memref<320000xi32, #tpu.memory_space<hbm>>, %arg5: memref<10000xi32, #tpu.memory_space<hbm>>, %arg6: memref<8000xi32, #tpu.memory_space<hbm>>, %arg7: memref<204800xi32, #tpu.memory_space<hbm>>, %arg8: memref<204800xi32, #tpu.memory_space<hbm>>, %arg9: memref<8000xi32, #tpu.memory_space<hbm>>, %arg10: memref<204800xi32, #tpu.memory_space<hbm>>, %arg11: memref<204800xi32, #tpu.memory_space<hbm>>, %arg12: memref<10240x128xf32, #tpu.memory_space<hbm>>, %arg13: memref<10240x128xf32, #tpu.memory_space<hbm>>, %arg14: memref<8192x128xf32, #tpu.memory_space<hbm>>, %arg15: memref<8192x128xf32, #tpu.memory_space<hbm>>, %arg16: memref<10240xf32, #tpu.memory_space<hbm>>, %arg17: memref<10240xf32, #tpu.memory_space<hbm>>, %arg18: memref<10240xf32, #tpu.memory_space<hbm>>, %arg19: memref<10240x128xf32, #tpu.memory_space<vmem_shared>>, %arg20: memref<10240xf32, #tpu.memory_space<vmem_shared>>, %arg21: memref<80xi32, #tpu.memory_space<vmem>>, %arg22: memref<80xi32, #tpu.memory_space<vmem>>, %arg23: memref<80xi32, #tpu.memory_space<vmem>>, %arg24: memref<80x128xf32, #tpu.memory_space<vmem>>, %arg25: memref<80xf32, #tpu.memory_space<vmem>>, %arg26: memref<128x128xf32, #tpu.memory_space<vmem>>, %arg27: memref<640xf32, #tpu.memory_space<vmem>>, %arg28: memref<!tpu.dma_semaphore, #tpu.memory_space<semaphore_mem>>) attributes {dimension_semantics = [#tpu.dimension_semantics<core_parallel>, #tpu.dimension_semantics<subcore_parallel>], iteration_bounds = array<i64: 2, 16>, scalar_prefetch = 0 : i64, scratch_operands = 10 : i64, tpu.core_type = #tpu.core_type<sc_vector_subcore>, window_params = [{transform_indices = #map}, {transform_indices = #map1}, {transform_indices = #map1}, {transform_indices = #map1}, {transform_indices = #map1}, {transform_indices = #map1}, {transform_indices = #map1}, {transform_indices = #map1}, {transform_indices = #map1}, {transform_indices = #map1}, {transform_indices = #map}, {transform_indices = #map}, {transform_indices = #map}, {transform_indices = #map}, {transform_indices = #map1}, {transform_indices = #map1}, {transform_indices = #map1}]} {
    %broadcast_in_dim3A = arith.constant 0.000000e+00 : f32
    %broadcast_in_dim3A_0 = vector.broadcast %broadcast_in_dim3A : f32 to vector<16xf32>
    %broadcast_in_dim3A_1 = arith.constant 1.000000e+00 : f32
    %broadcast_in_dim3A_2 = vector.broadcast %broadcast_in_dim3A_1 : f32 to vector<16xf32>
    %scan3A = arith.constant 0 : i32
    %scan3A_3 = arith.constant 0 : i32
    %scan3A_4 = arith.constant 128 : i32
    %scan3A_5 = arith.addi %scan3A_3, %scan3A_4 : i32
    %scan3A_6 = arith.constant 1 : i32
    scf.for %scan3A_252 = %scan3A_3 to %scan3A_5 step %scan3A_6  : i32 {
      %swap3A_253 = arith.index_cast %scan3A_252 : i32 to index
      %swap3A_254 = arith.constant 0 : index
      %swap3A_255 = tpu.vector_load %arg26[%swap3A_253, %swap3A_254] {strides = array<i32>} : memref<128x128xf32, #tpu.memory_space<vmem>>, vector<1x16xf32>,
      %swap3A_256 = vector.shape_cast %swap3A_255 : vector<1x16xf32> to vector<16xf32>
      %swap3A_257 = vector.shape_cast %broadcast_in_dim3A_0 : vector<16xf32> to vector<1x16xf32>
      tpu.vector_store %arg26[%swap3A_253, %swap3A_254], %swap3A_257 {strides = array<i32>} : memref<128x128xf32, #tpu.memory_space<vmem>>, vector<1x16xf32>,
      %swap3A_258 = arith.index_cast %scan3A_252 : i32 to index
      %swap3A_259 = arith.constant 16 : index
      %swap3A_260 = tpu.vector_load %arg26[%swap3A_258, %swap3A_259] {strides = array<i32>} : memref<128x128xf32, #tpu.memory_space<vmem>>, vector<1x16xf32>,
      %swap3A_261 = vector.shape_cast %swap3A_260 : vector<1x16xf32> to vector<16xf32>
      %swap3A_262 = vector.shape_cast %broadcast_in_dim3A_0 : vector<16xf32> to vector<1x16xf32>
      tpu.vector_store %arg26[%swap3A_258, %swap3A_259], %swap3A_262 {strides = array<i32>} : memref<128x128xf32, #tpu.memory_space<vmem>>, vector<1x16xf32>,
      %swap3A_263 = arith.index_cast %scan3A_252 : i32 to index
      %swap3A_264 = arith.constant 32 : index
      %swap3A_265 = tpu.vector_load %arg26[%swap3A_263, %swap3A_264] {strides = array<i32>} : memref<128x128xf32, #tpu.memory_space<vmem>>, vector<1x16xf32>,
      %swap3A_266 = vector.shape_cast %swap3A_265 : vector<1x16xf32> to vector<16xf32>
      %swap3A_267 = vector.shape_cast %broadcast_in_dim3A_0 : vector<16xf32> to vector<1x16xf32>
      tpu.vector_store %arg26[%swap3A_263, %swap3A_264], %swap3A_267 {strides = array<i32>} : memref<128x128xf32, #tpu.memory_space<vmem>>, vector<1x16xf32>,
      %swap3A_268 = arith.index_cast %scan3A_252 : i32 to index
      %swap3A_269 = arith.constant 48 : index
      %swap3A_270 = tpu.vector_load %arg26[%swap3A_268, %swap3A_269] {strides = array<i32>} : memref<128x128xf32, #tpu.memory_space<vmem>>, vector<1x16xf32>,
      %swap3A_271 = vector.shape_cast %swap3A_270 : vector<1x16xf32> to vector<16xf32>
      %swap3A_272 = vector.shape_cast %broadcast_in_dim3A_0 : vector<16xf32> to vector<1x16xf32>
      tpu.vector_store %arg26[%swap3A_268, %swap3A_269], %swap3A_272 {strides = array<i32>} : memref<128x128xf32, #tpu.memory_space<vmem>>, vector<1x16xf32>,
      %swap3A_273 = arith.index_cast %scan3A_252 : i32 to index
      %swap3A_274 = arith.constant 64 : index
      %swap3A_275 = tpu.vector_load %arg26[%swap3A_273, %swap3A_274] {strides = array<i32>} : memref<128x128xf32, #tpu.memory_space<vmem>>, vector<1x16xf32>,
      %swap3A_276 = vector.shape_cast %swap3A_275 : vector<1x16xf32> to vector<16xf32>
      %swap3A_277 = vector.shape_cast %broadcast_in_dim3A_0 : vector<16xf32> to vector<1x16xf32>
      tpu.vector_store %arg26[%swap3A_273, %swap3A_274], %swap3A_277 {strides = array<i32>} : memref<128x128xf32, #tpu.memory_space<vmem>>, vector<1x16xf32>,
      %swap3A_278 = arith.index_cast %scan3A_252 : i32 to index
      %swap3A_279 = arith.constant 80 : index
      %swap3A_280 = tpu.vector_load %arg26[%swap3A_278, %swap3A_279] {strides = array<i32>} : memref<128x128xf32, #tpu.memory_space<vmem>>, vector<1x16xf32>,
      %swap3A_281 = vector.shape_cast %swap3A_280 : vector<1x16xf32> to vector<16xf32>
      %swap3A_282 = vector.shape_cast %broadcast_in_dim3A_0 : vector<16xf32> to vector<1x16xf32>
      tpu.vector_store %arg26[%swap3A_278, %swap3A_279], %swap3A_282 {strides = array<i32>} : memref<128x128xf32, #tpu.memory_space<vmem>>, vector<1x16xf32>,
      %swap3A_283 = arith.index_cast %scan3A_252 : i32 to index
      %swap3A_284 = arith.constant 96 : index
      %swap3A_285 = tpu.vector_load %arg26[%swap3A_283, %swap3A_284] {strides = array<i32>} : memref<128x128xf32, #tpu.memory_space<vmem>>, vector<1x16xf32>,
      %swap3A_286 = vector.shape_cast %swap3A_285 : vector<1x16xf32> to vector<16xf32>
      %swap3A_287 = vector.shape_cast %broadcast_in_dim3A_0 : vector<16xf32> to vector<1x16xf32>
      tpu.vector_store %arg26[%swap3A_283, %swap3A_284], %swap3A_287 {strides = array<i32>} : memref<128x128xf32, #tpu.memory_space<vmem>>, vector<1x16xf32>,
      %swap3A_288 = arith.index_cast %scan3A_252 : i32 to index
      %swap3A_289 = arith.constant 112 : index
      %swap3A_290 = tpu.vector_load %arg26[%swap3A_288, %swap3A_289] {strides = array<i32>} : memref<128x128xf32, #tpu.memory_space<vmem>>, vector<1x16xf32>,
      %swap3A_291 = vector.shape_cast %swap3A_290 : vector<1x16xf32> to vector<16xf32>
      %swap3A_292 = vector.shape_cast %broadcast_in_dim3A_0 : vector<16xf32> to vector<1x16xf32>
      tpu.vector_store %arg26[%swap3A_288, %swap3A_289], %swap3A_292 {strides = array<i32>} : memref<128x128xf32, #tpu.memory_space<vmem>>, vector<1x16xf32>,
    }
    %scan3A_7 = arith.constant 128 : i32
    %swap3A = arith.constant 0 : index
    %swap3A_8 = tpu.vector_load %arg27[%swap3A] {strides = array<i32>} : memref<640xf32, #tpu.memory_space<vmem>>, vector<16xf32>,
    %swap3A_9 = vector.shape_cast %swap3A_8 : vector<16xf32> to vector<16xf32>
    %swap3A_10 = vector.shape_cast %broadcast_in_dim3A_0 : vector<16xf32> to vector<16xf32>
    tpu.vector_store %arg27[%swap3A], %swap3A_10 {strides = array<i32>} : memref<640xf32, #tpu.memory_space<vmem>>, vector<16xf32>,
    %swap3A_11 = arith.constant 16 : index
    %swap3A_12 = tpu.vector_load %arg27[%swap3A_11] {strides = array<i32>} : memref<640xf32, #tpu.memory_space<vmem>>, vector<16xf32>,
    %swap3A_13 = vector.shape_cast %swap3A_12 : vector<16xf32> to vector<16xf32>
    %swap3A_14 = vector.shape_cast %broadcast_in_dim3A_0 : vector<16xf32> to vector<16xf32>
    tpu.vector_store %arg27[%swap3A_11], %swap3A_14 {strides = array<i32>} : memref<640xf32, #tpu.memory_space<vmem>>, vector<16xf32>,
    %swap3A_15 = arith.constant 32 : index
    %swap3A_16 = tpu.vector_load %arg27[%swap3A_15] {strides = array<i32>} : memref<640xf32, #tpu.memory_space<vmem>>, vector<16xf32>,
    %swap3A_17 = vector.shape_cast %swap3A_16 : vector<16xf32> to vector<16xf32>
    %swap3A_18 = vector.shape_cast %broadcast_in_dim3A_0 : vector<16xf32> to vector<16xf32>
    tpu.vector_store %arg27[%swap3A_15], %swap3A_18 {strides = array<i32>} : memref<640xf32, #tpu.memory_space<vmem>>, vector<16xf32>,
    %swap3A_19 = arith.constant 48 : index
    %swap3A_20 = tpu.vector_load %arg27[%swap3A_19] {strides = array<i32>} : memref<640xf32, #tpu.memory_space<vmem>>, vector<16xf32>,
    %swap3A_21 = vector.shape_cast %swap3A_20 : vector<16xf32> to vector<16xf32>
    %swap3A_22 = vector.shape_cast %broadcast_in_dim3A_0 : vector<16xf32> to vector<16xf32>
    tpu.vector_store %arg27[%swap3A_19], %swap3A_22 {strides = array<i32>} : memref<640xf32, #tpu.memory_space<vmem>>, vector<16xf32>,
    %swap3A_23 = arith.constant 64 : index
    %swap3A_24 = tpu.vector_load %arg27[%swap3A_23] {strides = array<i32>} : memref<640xf32, #tpu.memory_space<vmem>>, vector<16xf32>,
    %swap3A_25 = vector.shape_cast %swap3A_24 : vector<16xf32> to vector<16xf32>
    %swap3A_26 = vector.shape_cast %broadcast_in_dim3A_0 : vector<16xf32> to vector<16xf32>
    tpu.vector_store %arg27[%swap3A_23], %swap3A_26 {strides = array<i32>} : memref<640xf32, #tpu.memory_space<vmem>>, vector<16xf32>,
    %swap3A_27 = arith.constant 80 : index
    %swap3A_28 = tpu.vector_load %arg27[%swap3A_27] {strides = array<i32>} : memref<640xf32, #tpu.memory_space<vmem>>, vector<16xf32>,
    %swap3A_29 = vector.shape_cast %swap3A_28 : vector<16xf32> to vector<16xf32>
    %swap3A_30 = vector.shape_cast %broadcast_in_dim3A_0 : vector<16xf32> to vector<16xf32>
    tpu.vector_store %arg27[%swap3A_27], %swap3A_30 {strides = array<i32>} : memref<640xf32, #tpu.memory_space<vmem>>, vector<16xf32>,
    %swap3A_31 = arith.constant 96 : index
    %swap3A_32 = tpu.vector_load %arg27[%swap3A_31] {strides = array<i32>} : memref<640xf32, #tpu.memory_space<vmem>>, vector<16xf32>,
    %swap3A_33 = vector.shape_cast %swap3A_32 : vector<16xf32> to vector<16xf32>
    %swap3A_34 = vector.shape_cast %broadcast_in_dim3A_0 : vector<16xf32> to vector<16xf32>
    tpu.vector_store %arg27[%swap3A_31], %swap3A_34 {strides = array<i32>} : memref<640xf32, #tpu.memory_space<vmem>>, vector<16xf32>,
    %swap3A_35 = arith.constant 112 : index
    %swap3A_36 = tpu.vector_load %arg27[%swap3A_35] {strides = array<i32>} : memref<640xf32, #tpu.memory_space<vmem>>, vector<16xf32>,
    %swap3A_37 = vector.shape_cast %swap3A_36 : vector<16xf32> to vector<16xf32>
    %swap3A_38 = vector.shape_cast %broadcast_in_dim3A_0 : vector<16xf32> to vector<16xf32>
    tpu.vector_store %arg27[%swap3A_35], %swap3A_38 {strides = array<i32>} : memref<640xf32, #tpu.memory_space<vmem>>, vector<16xf32>,
    %swap3A_39 = arith.constant 128 : index
    %swap3A_40 = tpu.vector_load %arg27[%swap3A_39] {strides = array<i32>} : memref<640xf32, #tpu.memory_space<vmem>>, vector<16xf32>,
    %swap3A_41 = vector.shape_cast %swap3A_40 : vector<16xf32> to vector<16xf32>
    %swap3A_42 = vector.shape_cast %broadcast_in_dim3A_0 : vector<16xf32> to vector<16xf32>
    tpu.vector_store %arg27[%swap3A_39], %swap3A_42 {strides = array<i32>} : memref<640xf32, #tpu.memory_space<vmem>>, vector<16xf32>,
    %swap3A_43 = arith.constant 144 : index
    %swap3A_44 = tpu.vector_load %arg27[%swap3A_43] {strides = array<i32>} : memref<640xf32, #tpu.memory_space<vmem>>, vector<16xf32>,
    %swap3A_45 = vector.shape_cast %swap3A_44 : vector<16xf32> to vector<16xf32>
    %swap3A_46 = vector.shape_cast %broadcast_in_dim3A_0 : vector<16xf32> to vector<16xf32>
    tpu.vector_store %arg27[%swap3A_43], %swap3A_46 {strides = array<i32>} : memref<640xf32, #tpu.memory_space<vmem>>, vector<16xf32>,
    %swap3A_47 = arith.constant 160 : index
    %swap3A_48 = tpu.vector_load %arg27[%swap3A_47] {strides = array<i32>} : memref<640xf32, #tpu.memory_space<vmem>>, vector<16xf32>,
    %swap3A_49 = vector.shape_cast %swap3A_48 : vector<16xf32> to vector<16xf32>
    %swap3A_50 = vector.shape_cast %broadcast_in_dim3A_0 : vector<16xf32> to vector<16xf32>
    tpu.vector_store %arg27[%swap3A_47], %swap3A_50 {strides = array<i32>} : memref<640xf32, #tpu.memory_space<vmem>>, vector<16xf32>,
    %swap3A_51 = arith.constant 176 : index
    %swap3A_52 = tpu.vector_load %arg27[%swap3A_51] {strides = array<i32>} : memref<640xf32, #tpu.memory_space<vmem>>, vector<16xf32>,
    %swap3A_53 = vector.shape_cast %swap3A_52 : vector<16xf32> to vector<16xf32>
    %swap3A_54 = vector.shape_cast %broadcast_in_dim3A_0 : vector<16xf32> to vector<16xf32>
    tpu.vector_store %arg27[%swap3A_51], %swap3A_54 {strides = array<i32>} : memref<640xf32, #tpu.memory_space<vmem>>, vector<16xf32>,
    %swap3A_55 = arith.constant 192 : index
    %swap3A_56 = tpu.vector_load %arg27[%swap3A_55] {strides = array<i32>} : memref<640xf32, #tpu.memory_space<vmem>>, vector<16xf32>,
    %swap3A_57 = vector.shape_cast %swap3A_56 : vector<16xf32> to vector<16xf32>
    %swap3A_58 = vector.shape_cast %broadcast_in_dim3A_0 : vector<16xf32> to vector<16xf32>
    tpu.vector_store %arg27[%swap3A_55], %swap3A_58 {strides = array<i32>} : memref<640xf32, #tpu.memory_space<vmem>>, vector<16xf32>,
    %swap3A_59 = arith.constant 208 : index
    %swap3A_60 = tpu.vector_load %arg27[%swap3A_59] {strides = array<i32>} : memref<640xf32, #tpu.memory_space<vmem>>, vector<16xf32>,
    %swap3A_61 = vector.shape_cast %swap3A_60 : vector<16xf32> to vector<16xf32>
    %swap3A_62 = vector.shape_cast %broadcast_in_dim3A_0 : vector<16xf32> to vector<16xf32>
    tpu.vector_store %arg27[%swap3A_59], %swap3A_62 {strides = array<i32>} : memref<640xf32, #tpu.memory_space<vmem>>, vector<16xf32>,
    %swap3A_63 = arith.constant 224 : index
    %swap3A_64 = tpu.vector_load %arg27[%swap3A_63] {strides = array<i32>} : memref<640xf32, #tpu.memory_space<vmem>>, vector<16xf32>,
    %swap3A_65 = vector.shape_cast %swap3A_64 : vector<16xf32> to vector<16xf32>
    %swap3A_66 = vector.shape_cast %broadcast_in_dim3A_0 : vector<16xf32> to vector<16xf32>
    tpu.vector_store %arg27[%swap3A_63], %swap3A_66 {strides = array<i32>} : memref<640xf32, #tpu.memory_space<vmem>>, vector<16xf32>,
    %swap3A_67 = arith.constant 240 : index
    %swap3A_68 = tpu.vector_load %arg27[%swap3A_67] {strides = array<i32>} : memref<640xf32, #tpu.memory_space<vmem>>, vector<16xf32>,
    %swap3A_69 = vector.shape_cast %swap3A_68 : vector<16xf32> to vector<16xf32>
    %swap3A_70 = vector.shape_cast %broadcast_in_dim3A_0 : vector<16xf32> to vector<16xf32>
    tpu.vector_store %arg27[%swap3A_67], %swap3A_70 {strides = array<i32>} : memref<640xf32, #tpu.memory_space<vmem>>, vector<16xf32>,
    %swap3A_71 = arith.constant 256 : index
    %swap3A_72 = tpu.vector_load %arg27[%swap3A_71] {strides = array<i32>} : memref<640xf32, #tpu.memory_space<vmem>>, vector<16xf32>,
    %swap3A_73 = vector.shape_cast %swap3A_72 : vector<16xf32> to vector<16xf32>
    %swap3A_74 = vector.shape_cast %broadcast_in_dim3A_0 : vector<16xf32> to vector<16xf32>
    tpu.vector_store %arg27[%swap3A_71], %swap3A_74 {strides = array<i32>} : memref<640xf32, #tpu.memory_space<vmem>>, vector<16xf32>,
    %swap3A_75 = arith.constant 272 : index
    %swap3A_76 = tpu.vector_load %arg27[%swap3A_75] {strides = array<i32>} : memref<640xf32, #tpu.memory_space<vmem>>, vector<16xf32>,
    %swap3A_77 = vector.shape_cast %swap3A_76 : vector<16xf32> to vector<16xf32>
    %swap3A_78 = vector.shape_cast %broadcast_in_dim3A_0 : vector<16xf32> to vector<16xf32>
    tpu.vector_store %arg27[%swap3A_75], %swap3A_78 {strides = array<i32>} : memref<640xf32, #tpu.memory_space<vmem>>, vector<16xf32>,
    %swap3A_79 = arith.constant 288 : index
    %swap3A_80 = tpu.vector_load %arg27[%swap3A_79] {strides = array<i32>} : memref<640xf32, #tpu.memory_space<vmem>>, vector<16xf32>,
    %swap3A_81 = vector.shape_cast %swap3A_80 : vector<16xf32> to vector<16xf32>
    %swap3A_82 = vector.shape_cast %broadcast_in_dim3A_0 : vector<16xf32> to vector<16xf32>
    tpu.vector_store %arg27[%swap3A_79], %swap3A_82 {strides = array<i32>} : memref<640xf32, #tpu.memory_space<vmem>>, vector<16xf32>,
    %swap3A_83 = arith.constant 304 : index
    %swap3A_84 = tpu.vector_load %arg27[%swap3A_83] {strides = array<i32>} : memref<640xf32, #tpu.memory_space<vmem>>, vector<16xf32>,
    %swap3A_85 = vector.shape_cast %swap3A_84 : vector<16xf32> to vector<16xf32>
    %swap3A_86 = vector.shape_cast %broadcast_in_dim3A_0 : vector<16xf32> to vector<16xf32>
    tpu.vector_store %arg27[%swap3A_83], %swap3A_86 {strides = array<i32>} : memref<640xf32, #tpu.memory_space<vmem>>, vector<16xf32>,
    %swap3A_87 = arith.constant 320 : index
    %swap3A_88 = tpu.vector_load %arg27[%swap3A_87] {strides = array<i32>} : memref<640xf32, #tpu.memory_space<vmem>>, vector<16xf32>,
    %swap3A_89 = vector.shape_cast %swap3A_88 : vector<16xf32> to vector<16xf32>
    %swap3A_90 = vector.shape_cast %broadcast_in_dim3A_0 : vector<16xf32> to vector<16xf32>
    tpu.vector_store %arg27[%swap3A_87], %swap3A_90 {strides = array<i32>} : memref<640xf32, #tpu.memory_space<vmem>>, vector<16xf32>,
    %swap3A_91 = arith.constant 336 : index
    %swap3A_92 = tpu.vector_load %arg27[%swap3A_91] {strides = array<i32>} : memref<640xf32, #tpu.memory_space<vmem>>, vector<16xf32>,
    %swap3A_93 = vector.shape_cast %swap3A_92 : vector<16xf32> to vector<16xf32>
    %swap3A_94 = vector.shape_cast %broadcast_in_dim3A_0 : vector<16xf32> to vector<16xf32>
    tpu.vector_store %arg27[%swap3A_91], %swap3A_94 {strides = array<i32>} : memref<640xf32, #tpu.memory_space<vmem>>, vector<16xf32>,
    %swap3A_95 = arith.constant 352 : index
    %swap3A_96 = tpu.vector_load %arg27[%swap3A_95] {strides = array<i32>} : memref<640xf32, #tpu.memory_space<vmem>>, vector<16xf32>,
    %swap3A_97 = vector.shape_cast %swap3A_96 : vector<16xf32> to vector<16xf32>
    %swap3A_98 = vector.shape_cast %broadcast_in_dim3A_0 : vector<16xf32> to vector<16xf32>
    tpu.vector_store %arg27[%swap3A_95], %swap3A_98 {strides = array<i32>} : memref<640xf32, #tpu.memory_space<vmem>>, vector<16xf32>,
    %swap3A_99 = arith.constant 368 : index
    %swap3A_100 = tpu.vector_load %arg27[%swap3A_99] {strides = array<i32>} : memref<640xf32, #tpu.memory_space<vmem>>, vector<16xf32>,
    %swap3A_101 = vector.shape_cast %swap3A_100 : vector<16xf32> to vector<16xf32>
    %swap3A_102 = vector.shape_cast %broadcast_in_dim3A_0 : vector<16xf32> to vector<16xf32>
    tpu.vector_store %arg27[%swap3A_99], %swap3A_102 {strides = array<i32>} : memref<640xf32, #tpu.memory_space<vmem>>, vector<16xf32>,
    %swap3A_103 = arith.constant 384 : index
    %swap3A_104 = tpu.vector_load %arg27[%swap3A_103] {strides = array<i32>} : memref<640xf32, #tpu.memory_space<vmem>>, vector<16xf32>,
    %swap3A_105 = vector.shape_cast %swap3A_104 : vector<16xf32> to vector<16xf32>
    %swap3A_106 = vector.shape_cast %broadcast_in_dim3A_0 : vector<16xf32> to vector<16xf32>
    tpu.vector_store %arg27[%swap3A_103], %swap3A_106 {strides = array<i32>} : memref<640xf32, #tpu.memory_space<vmem>>, vector<16xf32>,
    %swap3A_107 = arith.constant 400 : index
    %swap3A_108 = tpu.vector_load %arg27[%swap3A_107] {strides = array<i32>} : memref<640xf32, #tpu.memory_space<vmem>>, vector<16xf32>,
    %swap3A_109 = vector.shape_cast %swap3A_108 : vector<16xf32> to vector<16xf32>
    %swap3A_110 = vector.shape_cast %broadcast_in_dim3A_0 : vector<16xf32> to vector<16xf32>
    tpu.vector_store %arg27[%swap3A_107], %swap3A_110 {strides = array<i32>} : memref<640xf32, #tpu.memory_space<vmem>>, vector<16xf32>,
    %swap3A_111 = arith.constant 416 : index
    %swap3A_112 = tpu.vector_load %arg27[%swap3A_111] {strides = array<i32>} : memref<640xf32, #tpu.memory_space<vmem>>, vector<16xf32>,
    %swap3A_113 = vector.shape_cast %swap3A_112 : vector<16xf32> to vector<16xf32>
    %swap3A_114 = vector.shape_cast %broadcast_in_dim3A_0 : vector<16xf32> to vector<16xf32>
    tpu.vector_store %arg27[%swap3A_111], %swap3A_114 {strides = array<i32>} : memref<640xf32, #tpu.memory_space<vmem>>, vector<16xf32>,
    %swap3A_115 = arith.constant 432 : index
    %swap3A_116 = tpu.vector_load %arg27[%swap3A_115] {strides = array<i32>} : memref<640xf32, #tpu.memory_space<vmem>>, vector<16xf32>,
    %swap3A_117 = vector.shape_cast %swap3A_116 : vector<16xf32> to vector<16xf32>
    %swap3A_118 = vector.shape_cast %broadcast_in_dim3A_0 : vector<16xf32> to vector<16xf32>
    tpu.vector_store %arg27[%swap3A_115], %swap3A_118 {strides = array<i32>} : memref<640xf32, #tpu.memory_space<vmem>>, vector<16xf32>,
    %swap3A_119 = arith.constant 448 : index
    %swap3A_120 = tpu.vector_load %arg27[%swap3A_119] {strides = array<i32>} : memref<640xf32, #tpu.memory_space<vmem>>, vector<16xf32>,
    %swap3A_121 = vector.shape_cast %swap3A_120 : vector<16xf32> to vector<16xf32>
    %swap3A_122 = vector.shape_cast %broadcast_in_dim3A_0 : vector<16xf32> to vector<16xf32>
    tpu.vector_store %arg27[%swap3A_119], %swap3A_122 {strides = array<i32>} : memref<640xf32, #tpu.memory_space<vmem>>, vector<16xf32>,
    %swap3A_123 = arith.constant 464 : index
    %swap3A_124 = tpu.vector_load %arg27[%swap3A_123] {strides = array<i32>} : memref<640xf32, #tpu.memory_space<vmem>>, vector<16xf32>,
    %swap3A_125 = vector.shape_cast %swap3A_124 : vector<16xf32> to vector<16xf32>
    %swap3A_126 = vector.shape_cast %broadcast_in_dim3A_0 : vector<16xf32> to vector<16xf32>
    tpu.vector_store %arg27[%swap3A_123], %swap3A_126 {strides = array<i32>} : memref<640xf32, #tpu.memory_space<vmem>>, vector<16xf32>,
    %swap3A_127 = arith.constant 480 : index
    %swap3A_128 = tpu.vector_load %arg27[%swap3A_127] {strides = array<i32>} : memref<640xf32, #tpu.memory_space<vmem>>, vector<16xf32>,
    %swap3A_129 = vector.shape_cast %swap3A_128 : vector<16xf32> to vector<16xf32>
    %swap3A_130 = vector.shape_cast %broadcast_in_dim3A_0 : vector<16xf32> to vector<16xf32>
    tpu.vector_store %arg27[%swap3A_127], %swap3A_130 {strides = array<i32>} : memref<640xf32, #tpu.memory_space<vmem>>, vector<16xf32>,
    %swap3A_131 = arith.constant 496 : index
    %swap3A_132 = tpu.vector_load %arg27[%swap3A_131] {strides = array<i32>} : memref<640xf32, #tpu.memory_space<vmem>>, vector<16xf32>,
    %swap3A_133 = vector.shape_cast %swap3A_132 : vector<16xf32> to vector<16xf32>
    %swap3A_134 = vector.shape_cast %broadcast_in_dim3A_0 : vector<16xf32> to vector<16xf32>
    tpu.vector_store %arg27[%swap3A_131], %swap3A_134 {strides = array<i32>} : memref<640xf32, #tpu.memory_space<vmem>>, vector<16xf32>,
    %swap3A_135 = arith.constant 512 : index
    %swap3A_136 = tpu.vector_load %arg27[%swap3A_135] {strides = array<i32>} : memref<640xf32, #tpu.memory_space<vmem>>, vector<16xf32>,
    %swap3A_137 = vector.shape_cast %swap3A_136 : vector<16xf32> to vector<16xf32>
    %swap3A_138 = vector.shape_cast %broadcast_in_dim3A_0 : vector<16xf32> to vector<16xf32>
    tpu.vector_store %arg27[%swap3A_135], %swap3A_138 {strides = array<i32>} : memref<640xf32, #tpu.memory_space<vmem>>, vector<16xf32>,
    %swap3A_139 = arith.constant 528 : index
    %swap3A_140 = tpu.vector_load %arg27[%swap3A_139] {strides = array<i32>} : memref<640xf32, #tpu.memory_space<vmem>>, vector<16xf32>,
    %swap3A_141 = vector.shape_cast %swap3A_140 : vector<16xf32> to vector<16xf32>
    %swap3A_142 = vector.shape_cast %broadcast_in_dim3A_0 : vector<16xf32> to vector<16xf32>
    tpu.vector_store %arg27[%swap3A_139], %swap3A_142 {strides = array<i32>} : memref<640xf32, #tpu.memory_space<vmem>>, vector<16xf32>,
    %swap3A_143 = arith.constant 544 : index
    %swap3A_144 = tpu.vector_load %arg27[%swap3A_143] {strides = array<i32>} : memref<640xf32, #tpu.memory_space<vmem>>, vector<16xf32>,
    %swap3A_145 = vector.shape_cast %swap3A_144 : vector<16xf32> to vector<16xf32>
    %swap3A_146 = vector.shape_cast %broadcast_in_dim3A_0 : vector<16xf32> to vector<16xf32>
    tpu.vector_store %arg27[%swap3A_143], %swap3A_146 {strides = array<i32>} : memref<640xf32, #tpu.memory_space<vmem>>, vector<16xf32>,
    %swap3A_147 = arith.constant 560 : index
    %swap3A_148 = tpu.vector_load %arg27[%swap3A_147] {strides = array<i32>} : memref<640xf32, #tpu.memory_space<vmem>>, vector<16xf32>,
    %swap3A_149 = vector.shape_cast %swap3A_148 : vector<16xf32> to vector<16xf32>
    %swap3A_150 = vector.shape_cast %broadcast_in_dim3A_0 : vector<16xf32> to vector<16xf32>
    tpu.vector_store %arg27[%swap3A_147], %swap3A_150 {strides = array<i32>} : memref<640xf32, #tpu.memory_space<vmem>>, vector<16xf32>,
    %swap3A_151 = arith.constant 576 : index
    %swap3A_152 = tpu.vector_load %arg27[%swap3A_151] {strides = array<i32>} : memref<640xf32, #tpu.memory_space<vmem>>, vector<16xf32>,
    %swap3A_153 = vector.shape_cast %swap3A_152 : vector<16xf32> to vector<16xf32>
    %swap3A_154 = vector.shape_cast %broadcast_in_dim3A_0 : vector<16xf32> to vector<16xf32>
    tpu.vector_store %arg27[%swap3A_151], %swap3A_154 {strides = array<i32>} : memref<640xf32, #tpu.memory_space<vmem>>, vector<16xf32>,
    %swap3A_155 = arith.constant 592 : index
    %swap3A_156 = tpu.vector_load %arg27[%swap3A_155] {strides = array<i32>} : memref<640xf32, #tpu.memory_space<vmem>>, vector<16xf32>,
    %swap3A_157 = vector.shape_cast %swap3A_156 : vector<16xf32> to vector<16xf32>
    %swap3A_158 = vector.shape_cast %broadcast_in_dim3A_0 : vector<16xf32> to vector<16xf32>
    tpu.vector_store %arg27[%swap3A_155], %swap3A_158 {strides = array<i32>} : memref<640xf32, #tpu.memory_space<vmem>>, vector<16xf32>,
    %swap3A_159 = arith.constant 608 : index
    %swap3A_160 = tpu.vector_load %arg27[%swap3A_159] {strides = array<i32>} : memref<640xf32, #tpu.memory_space<vmem>>, vector<16xf32>,
    %swap3A_161 = vector.shape_cast %swap3A_160 : vector<16xf32> to vector<16xf32>
    %swap3A_162 = vector.shape_cast %broadcast_in_dim3A_0 : vector<16xf32> to vector<16xf32>
    tpu.vector_store %arg27[%swap3A_159], %swap3A_162 {strides = array<i32>} : memref<640xf32, #tpu.memory_space<vmem>>, vector<16xf32>,
    %swap3A_163 = arith.constant 624 : index
    %swap3A_164 = tpu.vector_load %arg27[%swap3A_163] {strides = array<i32>} : memref<640xf32, #tpu.memory_space<vmem>>, vector<16xf32>,
    %swap3A_165 = vector.shape_cast %swap3A_164 : vector<16xf32> to vector<16xf32>
    %swap3A_166 = vector.shape_cast %broadcast_in_dim3A_0 : vector<16xf32> to vector<16xf32>
    tpu.vector_store %arg27[%swap3A_163], %swap3A_166 {strides = array<i32>} : memref<640xf32, #tpu.memory_space<vmem>>, vector<16xf32>,
    %swap3A_167 = arith.constant 0 : index
    %swap3A_168 = tpu.vector_load %arg25[%swap3A_167] {strides = array<i32>} : memref<80xf32, #tpu.memory_space<vmem>>, vector<16xf32>,
    %swap3A_169 = vector.shape_cast %swap3A_168 : vector<16xf32> to vector<16xf32>
    %swap3A_170 = vector.shape_cast %broadcast_in_dim3A_2 : vector<16xf32> to vector<16xf32>
    tpu.vector_store %arg25[%swap3A_167], %swap3A_170 {strides = array<i32>} : memref<80xf32, #tpu.memory_space<vmem>>, vector<16xf32>,
    %swap3A_171 = arith.constant 16 : index
    %swap3A_172 = tpu.vector_load %arg25[%swap3A_171] {strides = array<i32>} : memref<80xf32, #tpu.memory_space<vmem>>, vector<16xf32>,
    %swap3A_173 = vector.shape_cast %swap3A_172 : vector<16xf32> to vector<16xf32>
    %swap3A_174 = vector.shape_cast %broadcast_in_dim3A_2 : vector<16xf32> to vector<16xf32>
    tpu.vector_store %arg25[%swap3A_171], %swap3A_174 {strides = array<i32>} : memref<80xf32, #tpu.memory_space<vmem>>, vector<16xf32>,
    %swap3A_175 = arith.constant 32 : index
    %swap3A_176 = tpu.vector_load %arg25[%swap3A_175] {strides = array<i32>} : memref<80xf32, #tpu.memory_space<vmem>>, vector<16xf32>,
    %swap3A_177 = vector.shape_cast %swap3A_176 : vector<16xf32> to vector<16xf32>
    %swap3A_178 = vector.shape_cast %broadcast_in_dim3A_2 : vector<16xf32> to vector<16xf32>
    tpu.vector_store %arg25[%swap3A_175], %swap3A_178 {strides = array<i32>} : memref<80xf32, #tpu.memory_space<vmem>>, vector<16xf32>,
    %swap3A_179 = arith.constant 48 : index
    %swap3A_180 = tpu.vector_load %arg25[%swap3A_179] {strides = array<i32>} : memref<80xf32, #tpu.memory_space<vmem>>, vector<16xf32>,
    %swap3A_181 = vector.shape_cast %swap3A_180 : vector<16xf32> to vector<16xf32>
    %swap3A_182 = vector.shape_cast %broadcast_in_dim3A_2 : vector<16xf32> to vector<16xf32>
    tpu.vector_store %arg25[%swap3A_179], %swap3A_182 {strides = array<i32>} : memref<80xf32, #tpu.memory_space<vmem>>, vector<16xf32>,
    %swap3A_183 = arith.constant 64 : index
    %swap3A_184 = tpu.vector_load %arg25[%swap3A_183] {strides = array<i32>} : memref<80xf32, #tpu.memory_space<vmem>>, vector<16xf32>,
    %swap3A_185 = vector.shape_cast %swap3A_184 : vector<16xf32> to vector<16xf32>
    %swap3A_186 = vector.shape_cast %broadcast_in_dim3A_2 : vector<16xf32> to vector<16xf32>
    tpu.vector_store %arg25[%swap3A_183], %swap3A_186 {strides = array<i32>} : memref<80xf32, #tpu.memory_space<vmem>>, vector<16xf32>,
    %mul3A = arith.constant 640 : i32
    %mul3A_187 = arith.muli %arg1, %mul3A : i32
    %add3A = arith.constant 0 : i32
    %add3A_188 = arith.addi %mul3A_187, %add3A : i32
    "tpu.region"() ({
      %run_scoped3A = tpu.sem_alloc : memref<!tpu.dma_semaphore, #tpu.memory_space<semaphore_mem>>
      %dma_start3A = arith.constant 0 : i32
      %dma_start3A_252 = tpu.memref_slice %arg19[%add3A_188, %dma_start3A] : memref<10240x128xf32, #tpu.memory_space<vmem_shared>> -> memref<128x128xf32, #tpu.memory_space<vmem_shared>>
      %dma_start3A_253 = arith.constant 0 : i32
      %dma_start3A_254 = tpu.memref_slice %arg19[%add3A_188, %dma_start3A_253] : memref<10240x128xf32, #tpu.memory_space<vmem_shared>> -> memref<128x128xf32, #tpu.memory_space<vmem_shared>>
      tpu.enqueue_dma source(%arg26 : memref<128x128xf32, #tpu.memory_space<vmem>>) target(%dma_start3A_254 : memref<128x128xf32, #tpu.memory_space<vmem_shared>>) target_semaphore(%run_scoped3A : memref<!tpu.dma_semaphore, #tpu.memory_space<semaphore_mem>>)
      %dma_wait3A = arith.constant 0 : i32
      %dma_wait3A_255 = tpu.memref_slice %arg19[%add3A_188, %dma_wait3A] : memref<10240x128xf32, #tpu.memory_space<vmem_shared>> -> memref<128x128xf32, #tpu.memory_space<vmem_shared>>
      %dma_wait3A_256 = arith.constant 0 : i32
      %dma_wait3A_257 = tpu.memref_slice %arg19[%add3A_188, %dma_wait3A_256] : memref<10240x128xf32, #tpu.memory_space<vmem_shared>> -> memref<128x128xf32, #tpu.memory_space<vmem_shared>>
      tpu.wait_dma2 semaphore(%run_scoped3A : memref<!tpu.dma_semaphore, #tpu.memory_space<semaphore_mem>>) src(%arg26 : memref<128x128xf32, #tpu.memory_space<vmem>>) dst(%dma_wait3A_257 : memref<128x128xf32, #tpu.memory_space<vmem_shared>>)
      tpu.yield
    }) : () -> ()
    %add3A_189 = arith.constant 128 : i32
    %add3A_190 = arith.addi %mul3A_187, %add3A_189 : i32
    "tpu.region"() ({
      %run_scoped3A = tpu.sem_alloc : memref<!tpu.dma_semaphore, #tpu.memory_space<semaphore_mem>>
      %dma_start3A = arith.constant 0 : i32
      %dma_start3A_252 = tpu.memref_slice %arg19[%add3A_190, %dma_start3A] : memref<10240x128xf32, #tpu.memory_space<vmem_shared>> -> memref<128x128xf32, #tpu.memory_space<vmem_shared>>
      %dma_start3A_253 = arith.constant 0 : i32
      %dma_start3A_254 = tpu.memref_slice %arg19[%add3A_190, %dma_start3A_253] : memref<10240x128xf32, #tpu.memory_space<vmem_shared>> -> memref<128x128xf32, #tpu.memory_space<vmem_shared>>
      tpu.enqueue_dma source(%arg26 : memref<128x128xf32, #tpu.memory_space<vmem>>) target(%dma_start3A_254 : memref<128x128xf32, #tpu.memory_space<vmem_shared>>) target_semaphore(%run_scoped3A : memref<!tpu.dma_semaphore, #tpu.memory_space<semaphore_mem>>)
      %dma_wait3A = arith.constant 0 : i32
      %dma_wait3A_255 = tpu.memref_slice %arg19[%add3A_190, %dma_wait3A] : memref<10240x128xf32, #tpu.memory_space<vmem_shared>> -> memref<128x128xf32, #tpu.memory_space<vmem_shared>>
      %dma_wait3A_256 = arith.constant 0 : i32
      %dma_wait3A_257 = tpu.memref_slice %arg19[%add3A_190, %dma_wait3A_256] : memref<10240x128xf32, #tpu.memory_space<vmem_shared>> -> memref<128x128xf32, #tpu.memory_space<vmem_shared>>
      tpu.wait_dma2 semaphore(%run_scoped3A : memref<!tpu.dma_semaphore, #tpu.memory_space<semaphore_mem>>) src(%arg26 : memref<128x128xf32, #tpu.memory_space<vmem>>) dst(%dma_wait3A_257 : memref<128x128xf32, #tpu.memory_space<vmem_shared>>)
      tpu.yield
    }) : () -> ()
    %add3A_191 = arith.constant 256 : i32
    %add3A_192 = arith.addi %mul3A_187, %add3A_191 : i32
    "tpu.region"() ({
      %run_scoped3A = tpu.sem_alloc : memref<!tpu.dma_semaphore, #tpu.memory_space<semaphore_mem>>
      %dma_start3A = arith.constant 0 : i32
      %dma_start3A_252 = tpu.memref_slice %arg19[%add3A_192, %dma_start3A] : memref<10240x128xf32, #tpu.memory_space<vmem_shared>> -> memref<128x128xf32, #tpu.memory_space<vmem_shared>>
      %dma_start3A_253 = arith.constant 0 : i32
      %dma_start3A_254 = tpu.memref_slice %arg19[%add3A_192, %dma_start3A_253] : memref<10240x128xf32, #tpu.memory_space<vmem_shared>> -> memref<128x128xf32, #tpu.memory_space<vmem_shared>>
      tpu.enqueue_dma source(%arg26 : memref<128x128xf32, #tpu.memory_space<vmem>>) target(%dma_start3A_254 : memref<128x128xf32, #tpu.memory_space<vmem_shared>>) target_semaphore(%run_scoped3A : memref<!tpu.dma_semaphore, #tpu.memory_space<semaphore_mem>>)
      %dma_wait3A = arith.constant 0 : i32
      %dma_wait3A_255 = tpu.memref_slice %arg19[%add3A_192, %dma_wait3A] : memref<10240x128xf32, #tpu.memory_space<vmem_shared>> -> memref<128x128xf32, #tpu.memory_space<vmem_shared>>
      %dma_wait3A_256 = arith.constant 0 : i32
      %dma_wait3A_257 = tpu.memref_slice %arg19[%add3A_192, %dma_wait3A_256] : memref<10240x128xf32, #tpu.memory_space<vmem_shared>> -> memref<128x128xf32, #tpu.memory_space<vmem_shared>>
      tpu.wait_dma2 semaphore(%run_scoped3A : memref<!tpu.dma_semaphore, #tpu.memory_space<semaphore_mem>>) src(%arg26 : memref<128x128xf32, #tpu.memory_space<vmem>>) dst(%dma_wait3A_257 : memref<128x128xf32, #tpu.memory_space<vmem_shared>>)
      tpu.yield
    }) : () -> ()
    %add3A_193 = arith.constant 384 : i32
    %add3A_194 = arith.addi %mul3A_187, %add3A_193 : i32
    "tpu.region"() ({
      %run_scoped3A = tpu.sem_alloc : memref<!tpu.dma_semaphore, #tpu.memory_space<semaphore_mem>>
      %dma_start3A = arith.constant 0 : i32
      %dma_start3A_252 = tpu.memref_slice %arg19[%add3A_194, %dma_start3A] : memref<10240x128xf32, #tpu.memory_space<vmem_shared>> -> memref<128x128xf32, #tpu.memory_space<vmem_shared>>
      %dma_start3A_253 = arith.constant 0 : i32
      %dma_start3A_254 = tpu.memref_slice %arg19[%add3A_194, %dma_start3A_253] : memref<10240x128xf32, #tpu.memory_space<vmem_shared>> -> memref<128x128xf32, #tpu.memory_space<vmem_shared>>
      tpu.enqueue_dma source(%arg26 : memref<128x128xf32, #tpu.memory_space<vmem>>) target(%dma_start3A_254 : memref<128x128xf32, #tpu.memory_space<vmem_shared>>) target_semaphore(%run_scoped3A : memref<!tpu.dma_semaphore, #tpu.memory_space<semaphore_mem>>)
      %dma_wait3A = arith.constant 0 : i32
      %dma_wait3A_255 = tpu.memref_slice %arg19[%add3A_194, %dma_wait3A] : memref<10240x128xf32, #tpu.memory_space<vmem_shared>> -> memref<128x128xf32, #tpu.memory_space<vmem_shared>>
      %dma_wait3A_256 = arith.constant 0 : i32
      %dma_wait3A_257 = tpu.memref_slice %arg19[%add3A_194, %dma_wait3A_256] : memref<10240x128xf32, #tpu.memory_space<vmem_shared>> -> memref<128x128xf32, #tpu.memory_space<vmem_shared>>
      tpu.wait_dma2 semaphore(%run_scoped3A : memref<!tpu.dma_semaphore, #tpu.memory_space<semaphore_mem>>) src(%arg26 : memref<128x128xf32, #tpu.memory_space<vmem>>) dst(%dma_wait3A_257 : memref<128x128xf32, #tpu.memory_space<vmem_shared>>)
      tpu.yield
    }) : () -> ()
    %add3A_195 = arith.constant 512 : i32
    %add3A_196 = arith.addi %mul3A_187, %add3A_195 : i32
    "tpu.region"() ({
      %run_scoped3A = tpu.sem_alloc : memref<!tpu.dma_semaphore, #tpu.memory_space<semaphore_mem>>
      %dma_start3A = arith.constant 0 : i32
      %dma_start3A_252 = tpu.memref_slice %arg19[%add3A_196, %dma_start3A] : memref<10240x128xf32, #tpu.memory_space<vmem_shared>> -> memref<128x128xf32, #tpu.memory_space<vmem_shared>>
      %dma_start3A_253 = arith.constant 0 : i32
      %dma_start3A_254 = tpu.memref_slice %arg19[%add3A_196, %dma_start3A_253] : memref<10240x128xf32, #tpu.memory_space<vmem_shared>> -> memref<128x128xf32, #tpu.memory_space<vmem_shared>>
      tpu.enqueue_dma source(%arg26 : memref<128x128xf32, #tpu.memory_space<vmem>>) target(%dma_start3A_254 : memref<128x128xf32, #tpu.memory_space<vmem_shared>>) target_semaphore(%run_scoped3A : memref<!tpu.dma_semaphore, #tpu.memory_space<semaphore_mem>>)
      %dma_wait3A = arith.constant 0 : i32
      %dma_wait3A_255 = tpu.memref_slice %arg19[%add3A_196, %dma_wait3A] : memref<10240x128xf32, #tpu.memory_space<vmem_shared>> -> memref<128x128xf32, #tpu.memory_space<vmem_shared>>
      %dma_wait3A_256 = arith.constant 0 : i32
      %dma_wait3A_257 = tpu.memref_slice %arg19[%add3A_196, %dma_wait3A_256] : memref<10240x128xf32, #tpu.memory_space<vmem_shared>> -> memref<128x128xf32, #tpu.memory_space<vmem_shared>>
      tpu.wait_dma2 semaphore(%run_scoped3A : memref<!tpu.dma_semaphore, #tpu.memory_space<semaphore_mem>>) src(%arg26 : memref<128x128xf32, #tpu.memory_space<vmem>>) dst(%dma_wait3A_257 : memref<128x128xf32, #tpu.memory_space<vmem_shared>>)
      tpu.yield
    }) : () -> ()
    %mul3A_197 = arith.constant 640 : i32
    %mul3A_198 = arith.muli %arg1, %mul3A_197 : i32
    "tpu.region"() ({
      %run_scoped3A = tpu.sem_alloc : memref<!tpu.dma_semaphore, #tpu.memory_space<semaphore_mem>>
      %dma_start3A = tpu.memref_slice %arg20[%mul3A_198] : memref<10240xf32, #tpu.memory_space<vmem_shared>> -> memref<640xf32, #tpu.memory_space<vmem_shared>>
      %dma_start3A_252 = tpu.memref_slice %arg20[%mul3A_198] : memref<10240xf32, #tpu.memory_space<vmem_shared>> -> memref<640xf32, #tpu.memory_space<vmem_shared>>
      tpu.enqueue_dma source(%arg27 : memref<640xf32, #tpu.memory_space<vmem>>) target(%dma_start3A_252 : memref<640xf32, #tpu.memory_space<vmem_shared>>) target_semaphore(%run_scoped3A : memref<!tpu.dma_semaphore, #tpu.memory_space<semaphore_mem>>)
      %dma_wait3A = tpu.memref_slice %arg20[%mul3A_198] : memref<10240xf32, #tpu.memory_space<vmem_shared>> -> memref<640xf32, #tpu.memory_space<vmem_shared>>
      %dma_wait3A_253 = tpu.memref_slice %arg20[%mul3A_198] : memref<10240xf32, #tpu.memory_space<vmem_shared>> -> memref<640xf32, #tpu.memory_space<vmem_shared>>
      tpu.wait_dma2 semaphore(%run_scoped3A : memref<!tpu.dma_semaphore, #tpu.memory_space<semaphore_mem>>) src(%arg27 : memref<640xf32, #tpu.memory_space<vmem>>) dst(%dma_wait3A_253 : memref<640xf32, #tpu.memory_space<vmem_shared>>)
      tpu.yield
    }) : () -> ()
    %barrier3A = arith.constant 0 : index
    tpu.barrier barrier_id(%barrier3A)
    %eq3A = arith.constant 0 : i32
    %eq3A_199 = arith.cmpi eq, %arg0, %eq3A : i32
    %convert_element_type3A = arith.extui %eq3A_199 : i1 to i32
    %cond3A = arith.constant 0 : i32
    %cond3A_200 = arith.cmpi ne, %convert_element_type3A, %cond3A : i32
    scf.if %cond3A_200 {
      %mul3A_252 = arith.constant 20000 : i32
      %mul3A_253 = arith.muli %arg1, %mul3A_252 : i32
      %scan3A_254 = arith.constant 0 : i32
      %scan3A_255 = arith.constant 0 : i32
      %scan3A_256 = arith.constant 250 : i32
      %scan3A_257 = arith.addi %scan3A_255, %scan3A_256 : i32
      %scan3A_258 = arith.constant 1 : i32
      scf.for %scan3A_260 = %scan3A_255 to %scan3A_257 step %scan3A_258  : i32 {
        %mul3A_261 = arith.constant 80 : i32
        %mul3A_262 = arith.muli %scan3A_260, %mul3A_261 : i32
        %add3A_263 = arith.addi %mul3A_253, %mul3A_262 : i32
        "tpu.region"() ({
          %run_scoped3A = tpu.sem_alloc : memref<!tpu.dma_semaphore, #tpu.memory_space<semaphore_mem>>
          %dma_start3A_268 = tpu.memref_slice %arg3[%add3A_263] : memref<320000xi32, #tpu.memory_space<hbm>> -> memref<80xi32, #tpu.memory_space<hbm>>
          %dma_start3A_269 = tpu.memref_slice %arg3[%add3A_263] : memref<320000xi32, #tpu.memory_space<hbm>> -> memref<80xi32, #tpu.memory_space<hbm>>
          tpu.enqueue_dma source(%dma_start3A_269 : memref<80xi32, #tpu.memory_space<hbm>>) target(%arg21 : memref<80xi32, #tpu.memory_space<vmem>>) target_semaphore(%run_scoped3A : memref<!tpu.dma_semaphore, #tpu.memory_space<semaphore_mem>>)
          %dma_wait3A_270 = tpu.memref_slice %arg3[%add3A_263] : memref<320000xi32, #tpu.memory_space<hbm>> -> memref<80xi32, #tpu.memory_space<hbm>>
          %dma_wait3A_271 = tpu.memref_slice %arg3[%add3A_263] : memref<320000xi32, #tpu.memory_space<hbm>> -> memref<80xi32, #tpu.memory_space<hbm>>
          tpu.wait_dma2 semaphore(%run_scoped3A : memref<!tpu.dma_semaphore, #tpu.memory_space<semaphore_mem>>) src(%dma_wait3A_271 : memref<80xi32, #tpu.memory_space<hbm>>) dst(%arg21 : memref<80xi32, #tpu.memory_space<vmem>>)
          tpu.yield
        }) : () -> ()
        "tpu.region"() ({
          %run_scoped3A = tpu.sem_alloc : memref<!tpu.dma_semaphore, #tpu.memory_space<semaphore_mem>>
          %dma_start3A_268 = tpu.memref_slice %arg4[%add3A_263] : memref<320000xi32, #tpu.memory_space<hbm>> -> memref<80xi32, #tpu.memory_space<hbm>>
          %dma_start3A_269 = tpu.memref_slice %arg4[%add3A_263] : memref<320000xi32, #tpu.memory_space<hbm>> -> memref<80xi32, #tpu.memory_space<hbm>>
          tpu.enqueue_dma source(%dma_start3A_269 : memref<80xi32, #tpu.memory_space<hbm>>) target(%arg22 : memref<80xi32, #tpu.memory_space<vmem>>) target_semaphore(%run_scoped3A : memref<!tpu.dma_semaphore, #tpu.memory_space<semaphore_mem>>)
          %dma_wait3A_270 = tpu.memref_slice %arg4[%add3A_263] : memref<320000xi32, #tpu.memory_space<hbm>> -> memref<80xi32, #tpu.memory_space<hbm>>
          %dma_wait3A_271 = tpu.memref_slice %arg4[%add3A_263] : memref<320000xi32, #tpu.memory_space<hbm>> -> memref<80xi32, #tpu.memory_space<hbm>>
          tpu.wait_dma2 semaphore(%run_scoped3A : memref<!tpu.dma_semaphore, #tpu.memory_space<semaphore_mem>>) src(%dma_wait3A_271 : memref<80xi32, #tpu.memory_space<hbm>>) dst(%arg22 : memref<80xi32, #tpu.memory_space<vmem>>)
          tpu.yield
        }) : () -> ()
        %dma_start3A = arith.constant 0 : i32
        %dma_start3A_264 = arith.constant 0 : i32
        %dma_start3A_265 = tpu.memref_slice %arg2[%dma_start3A, %dma_start3A_264] : memref<10000x128xf32, #tpu.memory_space<hbm>> -> memref<10000x128xf32, #tpu.memory_space<hbm>>
        tpu.enqueue_indirect_dma source(%dma_start3A_265 : memref<10000x128xf32, #tpu.memory_space<hbm>>) target(%arg24 : memref<80x128xf32, #tpu.memory_space<vmem>>) offsets(%arg21 : memref<80xi32, #tpu.memory_space<vmem>>) semaphore(%arg28 : memref<!tpu.dma_semaphore, #tpu.memory_space<semaphore_mem>>)
        %dma_wait3A = arith.constant 0 : i32
        %dma_wait3A_266 = arith.constant 0 : i32
        %dma_wait3A_267 = tpu.memref_slice %arg2[%dma_wait3A, %dma_wait3A_266] : memref<10000x128xf32, #tpu.memory_space<hbm>> -> memref<10000x128xf32, #tpu.memory_space<hbm>>
        tpu.wait_indirect_dma semaphore(%arg28 : memref<!tpu.dma_semaphore, #tpu.memory_space<semaphore_mem>>) src(%dma_wait3A_267 : memref<10000x128xf32, #tpu.memory_space<hbm>>) dst(%arg24 : memref<80x128xf32, #tpu.memory_space<vmem>>)
        "tpu.region"() ({
          %run_scoped3A = tpu.sem_alloc : memref<!tpu.dma_semaphore, #tpu.memory_space<semaphore_mem>>
          %dma_start3A_268 = arith.constant 0 : i32
          %dma_start3A_269 = arith.constant 0 : i32
          %dma_start3A_270 = tpu.memref_slice %arg19[%dma_start3A_268, %dma_start3A_269] : memref<10240x128xf32, #tpu.memory_space<vmem_shared>> -> memref<10240x128xf32, #tpu.memory_space<vmem_shared>>
          tpu.enqueue_indirect_dma source(%arg24 : memref<80x128xf32, #tpu.memory_space<vmem>>) target(%dma_start3A_270 : memref<10240x128xf32, #tpu.memory_space<vmem_shared>>) offsets(%arg22 : memref<80xi32, #tpu.memory_space<vmem>>) semaphore(%run_scoped3A : memref<!tpu.dma_semaphore, #tpu.memory_space<semaphore_mem>>) {add = true}
          %dma_wait3A_271 = arith.constant 0 : i32
          %dma_wait3A_272 = arith.constant 0 : i32
          %dma_wait3A_273 = tpu.memref_slice %arg19[%dma_wait3A_271, %dma_wait3A_272] : memref<10240x128xf32, #tpu.memory_space<vmem_shared>> -> memref<10240x128xf32, #tpu.memory_space<vmem_shared>>
          tpu.wait_indirect_dma semaphore(%run_scoped3A : memref<!tpu.dma_semaphore, #tpu.memory_space<semaphore_mem>>) src(%arg24 : memref<80x128xf32, #tpu.memory_space<vmem>>) dst(%dma_wait3A_273 : memref<10240x128xf32, #tpu.memory_space<vmem_shared>>)
          tpu.yield
        }) : () -> ()
        "tpu.region"() ({
          %run_scoped3A = tpu.sem_alloc : memref<!tpu.dma_semaphore, #tpu.memory_space<semaphore_mem>>
          %dma_start3A_268 = arith.constant 0 : i32
          %dma_start3A_269 = tpu.memref_slice %arg20[%dma_start3A_268] : memref<10240xf32, #tpu.memory_space<vmem_shared>> -> memref<10240xf32, #tpu.memory_space<vmem_shared>>
          tpu.enqueue_indirect_dma source(%arg25 : memref<80xf32, #tpu.memory_space<vmem>>) target(%dma_start3A_269 : memref<10240xf32, #tpu.memory_space<vmem_shared>>) offsets(%arg22 : memref<80xi32, #tpu.memory_space<vmem>>) semaphore(%run_scoped3A : memref<!tpu.dma_semaphore, #tpu.memory_space<semaphore_mem>>) {add = true}
          %dma_wait3A_270 = arith.constant 0 : i32
          %dma_wait3A_271 = tpu.memref_slice %arg20[%dma_wait3A_270] : memref<10240xf32, #tpu.memory_space<vmem_shared>> -> memref<10240xf32, #tpu.memory_space<vmem_shared>>
          tpu.wait_indirect_dma semaphore(%run_scoped3A : memref<!tpu.dma_semaphore, #tpu.memory_space<semaphore_mem>>) src(%arg25 : memref<80xf32, #tpu.memory_space<vmem>>) dst(%dma_wait3A_271 : memref<10240xf32, #tpu.memory_space<vmem_shared>>)
          tpu.yield
        }) : () -> ()
      }
      %scan3A_259 = arith.constant 250 : i32
    } else {
    }
    %eq3A_201 = arith.constant 1 : i32
    %eq3A_202 = arith.cmpi eq, %arg0, %eq3A_201 : i32
    %convert_element_type3A_203 = arith.extui %eq3A_202 : i1 to i32
    %cond3A_204 = arith.constant 0 : i32
    %cond3A_205 = arith.cmpi ne, %convert_element_type3A_203, %cond3A_204 : i32
    scf.if %cond3A_205 {
      %mul3A_252 = arith.constant 20000 : i32
      %mul3A_253 = arith.muli %arg1, %mul3A_252 : i32
      %scan3A_254 = arith.constant 0 : i32
      %scan3A_255 = arith.constant 0 : i32
      %scan3A_256 = arith.constant 250 : i32
      %scan3A_257 = arith.addi %scan3A_255, %scan3A_256 : i32
      %scan3A_258 = arith.constant 1 : i32
      scf.for %scan3A_260 = %scan3A_255 to %scan3A_257 step %scan3A_258  : i32 {
        %mul3A_261 = arith.constant 80 : i32
        %mul3A_262 = arith.muli %scan3A_260, %mul3A_261 : i32
        %add3A_263 = arith.addi %mul3A_253, %mul3A_262 : i32
        "tpu.region"() ({
          %run_scoped3A = tpu.sem_alloc : memref<!tpu.dma_semaphore, #tpu.memory_space<semaphore_mem>>
          %dma_start3A_272 = tpu.memref_slice %arg3[%add3A_263] : memref<320000xi32, #tpu.memory_space<hbm>> -> memref<80xi32, #tpu.memory_space<hbm>>
          %dma_start3A_273 = tpu.memref_slice %arg3[%add3A_263] : memref<320000xi32, #tpu.memory_space<hbm>> -> memref<80xi32, #tpu.memory_space<hbm>>
          tpu.enqueue_dma source(%dma_start3A_273 : memref<80xi32, #tpu.memory_space<hbm>>) target(%arg21 : memref<80xi32, #tpu.memory_space<vmem>>) target_semaphore(%run_scoped3A : memref<!tpu.dma_semaphore, #tpu.memory_space<semaphore_mem>>)
          %dma_wait3A_274 = tpu.memref_slice %arg3[%add3A_263] : memref<320000xi32, #tpu.memory_space<hbm>> -> memref<80xi32, #tpu.memory_space<hbm>>
          %dma_wait3A_275 = tpu.memref_slice %arg3[%add3A_263] : memref<320000xi32, #tpu.memory_space<hbm>> -> memref<80xi32, #tpu.memory_space<hbm>>
          tpu.wait_dma2 semaphore(%run_scoped3A : memref<!tpu.dma_semaphore, #tpu.memory_space<semaphore_mem>>) src(%dma_wait3A_275 : memref<80xi32, #tpu.memory_space<hbm>>) dst(%arg21 : memref<80xi32, #tpu.memory_space<vmem>>)
          tpu.yield
        }) : () -> ()
        "tpu.region"() ({
          %run_scoped3A = tpu.sem_alloc : memref<!tpu.dma_semaphore, #tpu.memory_space<semaphore_mem>>
          %dma_start3A_272 = tpu.memref_slice %arg4[%add3A_263] : memref<320000xi32, #tpu.memory_space<hbm>> -> memref<80xi32, #tpu.memory_space<hbm>>
          %dma_start3A_273 = tpu.memref_slice %arg4[%add3A_263] : memref<320000xi32, #tpu.memory_space<hbm>> -> memref<80xi32, #tpu.memory_space<hbm>>
          tpu.enqueue_dma source(%dma_start3A_273 : memref<80xi32, #tpu.memory_space<hbm>>) target(%arg22 : memref<80xi32, #tpu.memory_space<vmem>>) target_semaphore(%run_scoped3A : memref<!tpu.dma_semaphore, #tpu.memory_space<semaphore_mem>>)
          %dma_wait3A_274 = tpu.memref_slice %arg4[%add3A_263] : memref<320000xi32, #tpu.memory_space<hbm>> -> memref<80xi32, #tpu.memory_space<hbm>>
          %dma_wait3A_275 = tpu.memref_slice %arg4[%add3A_263] : memref<320000xi32, #tpu.memory_space<hbm>> -> memref<80xi32, #tpu.memory_space<hbm>>
          tpu.wait_dma2 semaphore(%run_scoped3A : memref<!tpu.dma_semaphore, #tpu.memory_space<semaphore_mem>>) src(%dma_wait3A_275 : memref<80xi32, #tpu.memory_space<hbm>>) dst(%arg22 : memref<80xi32, #tpu.memory_space<vmem>>)
          tpu.yield
        }) : () -> ()
        %dma_start3A = arith.constant 0 : i32
        %dma_start3A_264 = tpu.memref_slice %arg5[%dma_start3A] : memref<10000xi32, #tpu.memory_space<hbm>> -> memref<10000xi32, #tpu.memory_space<hbm>>
        tpu.enqueue_indirect_dma source(%dma_start3A_264 : memref<10000xi32, #tpu.memory_space<hbm>>) target(%arg23 : memref<80xi32, #tpu.memory_space<vmem>>) offsets(%arg21 : memref<80xi32, #tpu.memory_space<vmem>>) semaphore(%arg28 : memref<!tpu.dma_semaphore, #tpu.memory_space<semaphore_mem>>)
        %dma_wait3A = arith.constant 0 : i32
        %dma_wait3A_265 = tpu.memref_slice %arg5[%dma_wait3A] : memref<10000xi32, #tpu.memory_space<hbm>> -> memref<10000xi32, #tpu.memory_space<hbm>>
        tpu.wait_indirect_dma semaphore(%arg28 : memref<!tpu.dma_semaphore, #tpu.memory_space<semaphore_mem>>) src(%dma_wait3A_265 : memref<10000xi32, #tpu.memory_space<hbm>>) dst(%arg23 : memref<80xi32, #tpu.memory_space<vmem>>)
        %dma_start3A_266 = arith.constant 0 : i32
        %dma_start3A_267 = arith.constant 0 : i32
        %dma_start3A_268 = tpu.memref_slice %arg2[%dma_start3A_266, %dma_start3A_267] : memref<10000x128xf32, #tpu.memory_space<hbm>> -> memref<10000x128xf32, #tpu.memory_space<hbm>>
        tpu.enqueue_indirect_dma source(%dma_start3A_268 : memref<10000x128xf32, #tpu.memory_space<hbm>>) target(%arg24 : memref<80x128xf32, #tpu.memory_space<vmem>>) offsets(%arg23 : memref<80xi32, #tpu.memory_space<vmem>>) semaphore(%arg28 : memref<!tpu.dma_semaphore, #tpu.memory_space<semaphore_mem>>)
        %dma_wait3A_269 = arith.constant 0 : i32
        %dma_wait3A_270 = arith.constant 0 : i32
        %dma_wait3A_271 = tpu.memref_slice %arg2[%dma_wait3A_269, %dma_wait3A_270] : memref<10000x128xf32, #tpu.memory_space<hbm>> -> memref<10000x128xf32, #tpu.memory_space<hbm>>
        tpu.wait_indirect_dma semaphore(%arg28 : memref<!tpu.dma_semaphore, #tpu.memory_space<semaphore_mem>>) src(%dma_wait3A_271 : memref<10000x128xf32, #tpu.memory_space<hbm>>) dst(%arg24 : memref<80x128xf32, #tpu.memory_space<vmem>>)
        "tpu.region"() ({
          %run_scoped3A = tpu.sem_alloc : memref<!tpu.dma_semaphore, #tpu.memory_space<semaphore_mem>>
          %dma_start3A_272 = arith.constant 0 : i32
          %dma_start3A_273 = arith.constant 0 : i32
          %dma_start3A_274 = tpu.memref_slice %arg19[%dma_start3A_272, %dma_start3A_273] : memref<10240x128xf32, #tpu.memory_space<vmem_shared>> -> memref<10240x128xf32, #tpu.memory_space<vmem_shared>>
          tpu.enqueue_indirect_dma source(%arg24 : memref<80x128xf32, #tpu.memory_space<vmem>>) target(%dma_start3A_274 : memref<10240x128xf32, #tpu.memory_space<vmem_shared>>) offsets(%arg22 : memref<80xi32, #tpu.memory_space<vmem>>) semaphore(%run_scoped3A : memref<!tpu.dma_semaphore, #tpu.memory_space<semaphore_mem>>) {add = true}
          %dma_wait3A_275 = arith.constant 0 : i32
          %dma_wait3A_276 = arith.constant 0 : i32
          %dma_wait3A_277 = tpu.memref_slice %arg19[%dma_wait3A_275, %dma_wait3A_276] : memref<10240x128xf32, #tpu.memory_space<vmem_shared>> -> memref<10240x128xf32, #tpu.memory_space<vmem_shared>>
          tpu.wait_indirect_dma semaphore(%run_scoped3A : memref<!tpu.dma_semaphore, #tpu.memory_space<semaphore_mem>>) src(%arg24 : memref<80x128xf32, #tpu.memory_space<vmem>>) dst(%dma_wait3A_277 : memref<10240x128xf32, #tpu.memory_space<vmem_shared>>)
          tpu.yield
        }) : () -> ()
      }
      %scan3A_259 = arith.constant 250 : i32
    } else {
    }
    %barrier3A_206 = arith.constant 0 : index
    tpu.barrier barrier_id(%barrier3A_206)
    %eq3A_207 = arith.constant 0 : i32
    %eq3A_208 = arith.cmpi eq, %arg0, %eq3A_207 : i32
    %convert_element_type3A_209 = arith.extui %eq3A_208 : i1 to i32
    %cond3A_210 = arith.constant 0 : i32
    %cond3A_211 = arith.cmpi ne, %convert_element_type3A_209, %cond3A_210 : i32
    scf.if %cond3A_211 {
      %mul3A_252 = arith.constant 640 : i32
      %mul3A_253 = arith.muli %arg1, %mul3A_252 : i32
      "tpu.region"() ({
        %run_scoped3A = tpu.sem_alloc : memref<!tpu.dma_semaphore, #tpu.memory_space<semaphore_mem>>
        %dma_start3A = arith.constant 0 : i32
        %dma_start3A_258 = tpu.memref_slice %arg12[%mul3A_253, %dma_start3A] : memref<10240x128xf32, #tpu.memory_space<hbm>> -> memref<640x128xf32, #tpu.memory_space<hbm>>
        %dma_start3A_259 = arith.constant 0 : i32
        %dma_start3A_260 = tpu.memref_slice %arg19[%mul3A_253, %dma_start3A_259] : memref<10240x128xf32, #tpu.memory_space<vmem_shared>> -> memref<640x128xf32, #tpu.memory_space<vmem_shared>>
        tpu.enqueue_dma source(%dma_start3A_260 : memref<640x128xf32, #tpu.memory_space<vmem_shared>>) target(%dma_start3A_258 : memref<640x128xf32, #tpu.memory_space<hbm>>) target_semaphore(%run_scoped3A : memref<!tpu.dma_semaphore, #tpu.memory_space<semaphore_mem>>)
        %dma_wait3A = arith.constant 0 : i32
        %dma_wait3A_261 = tpu.memref_slice %arg12[%mul3A_253, %dma_wait3A] : memref<10240x128xf32, #tpu.memory_space<hbm>> -> memref<640x128xf32, #tpu.memory_space<hbm>>
        %dma_wait3A_262 = arith.constant 0 : i32
        %dma_wait3A_263 = tpu.memref_slice %arg19[%mul3A_253, %dma_wait3A_262] : memref<10240x128xf32, #tpu.memory_space<vmem_shared>> -> memref<640x128xf32, #tpu.memory_space<vmem_shared>>
        tpu.wait_dma2 semaphore(%run_scoped3A : memref<!tpu.dma_semaphore, #tpu.memory_space<semaphore_mem>>) src(%dma_wait3A_263 : memref<640x128xf32, #tpu.memory_space<vmem_shared>>) dst(%dma_wait3A_261 : memref<640x128xf32, #tpu.memory_space<hbm>>)
        tpu.yield
      }) : () -> ()
      %mul3A_254 = arith.constant 640 : i32
      %mul3A_255 = arith.muli %arg1, %mul3A_254 : i32
      %mul3A_256 = arith.constant 640 : i32
      %mul3A_257 = arith.muli %arg1, %mul3A_256 : i32
      "tpu.region"() ({
        %run_scoped3A = tpu.sem_alloc : memref<!tpu.dma_semaphore, #tpu.memory_space<semaphore_mem>>
        %dma_start3A = tpu.memref_slice %arg16[%mul3A_257] : memref<10240xf32, #tpu.memory_space<hbm>> -> memref<640xf32, #tpu.memory_space<hbm>>
        %dma_start3A_258 = tpu.memref_slice %arg20[%mul3A_255] : memref<10240xf32, #tpu.memory_space<vmem_shared>> -> memref<640xf32, #tpu.memory_space<vmem_shared>>
        tpu.enqueue_dma source(%dma_start3A_258 : memref<640xf32, #tpu.memory_space<vmem_shared>>) target(%dma_start3A : memref<640xf32, #tpu.memory_space<hbm>>) target_semaphore(%run_scoped3A : memref<!tpu.dma_semaphore, #tpu.memory_space<semaphore_mem>>)
        %dma_wait3A = tpu.memref_slice %arg16[%mul3A_257] : memref<10240xf32, #tpu.memory_space<hbm>> -> memref<640xf32, #tpu.memory_space<hbm>>
        %dma_wait3A_259 = tpu.memref_slice %arg20[%mul3A_255] : memref<10240xf32, #tpu.memory_space<vmem_shared>> -> memref<640xf32, #tpu.memory_space<vmem_shared>>
        tpu.wait_dma2 semaphore(%run_scoped3A : memref<!tpu.dma_semaphore, #tpu.memory_space<semaphore_mem>>) src(%dma_wait3A_259 : memref<640xf32, #tpu.memory_space<vmem_shared>>) dst(%dma_wait3A : memref<640xf32, #tpu.memory_space<hbm>>)
        tpu.yield
      }) : () -> ()
    } else {
    }
    %eq3A_212 = arith.constant 1 : i32
    %eq3A_213 = arith.cmpi eq, %arg0, %eq3A_212 : i32
    %convert_element_type3A_214 = arith.extui %eq3A_213 : i1 to i32
    %cond3A_215 = arith.constant 0 : i32
    %cond3A_216 = arith.cmpi ne, %convert_element_type3A_214, %cond3A_215 : i32
    scf.if %cond3A_216 {
      %mul3A_252 = arith.constant 640 : i32
      %mul3A_253 = arith.muli %arg1, %mul3A_252 : i32
      "tpu.region"() ({
        %run_scoped3A = tpu.sem_alloc : memref<!tpu.dma_semaphore, #tpu.memory_space<semaphore_mem>>
        %dma_start3A = arith.constant 0 : i32
        %dma_start3A_254 = tpu.memref_slice %arg13[%mul3A_253, %dma_start3A] : memref<10240x128xf32, #tpu.memory_space<hbm>> -> memref<640x128xf32, #tpu.memory_space<hbm>>
        %dma_start3A_255 = arith.constant 0 : i32
        %dma_start3A_256 = tpu.memref_slice %arg19[%mul3A_253, %dma_start3A_255] : memref<10240x128xf32, #tpu.memory_space<vmem_shared>> -> memref<640x128xf32, #tpu.memory_space<vmem_shared>>
        tpu.enqueue_dma source(%dma_start3A_256 : memref<640x128xf32, #tpu.memory_space<vmem_shared>>) target(%dma_start3A_254 : memref<640x128xf32, #tpu.memory_space<hbm>>) target_semaphore(%run_scoped3A : memref<!tpu.dma_semaphore, #tpu.memory_space<semaphore_mem>>)
        %dma_wait3A = arith.constant 0 : i32
        %dma_wait3A_257 = tpu.memref_slice %arg13[%mul3A_253, %dma_wait3A] : memref<10240x128xf32, #tpu.memory_space<hbm>> -> memref<640x128xf32, #tpu.memory_space<hbm>>
        %dma_wait3A_258 = arith.constant 0 : i32
        %dma_wait3A_259 = tpu.memref_slice %arg19[%mul3A_253, %dma_wait3A_258] : memref<10240x128xf32, #tpu.memory_space<vmem_shared>> -> memref<640x128xf32, #tpu.memory_space<vmem_shared>>
        tpu.wait_dma2 semaphore(%run_scoped3A : memref<!tpu.dma_semaphore, #tpu.memory_space<semaphore_mem>>) src(%dma_wait3A_259 : memref<640x128xf32, #tpu.memory_space<vmem_shared>>) dst(%dma_wait3A_257 : memref<640x128xf32, #tpu.memory_space<hbm>>)
        tpu.yield
      }) : () -> ()
    } else {
    }
    %barrier3A_217 = arith.constant 0 : index
    tpu.barrier barrier_id(%barrier3A_217)
    %mul3A_218 = arith.constant 512 : i32
    %mul3A_219 = arith.muli %arg1, %mul3A_218 : i32
    %add3A_220 = arith.constant 0 : i32
    %add3A_221 = arith.addi %mul3A_219, %add3A_220 : i32
    "tpu.region"() ({
      %run_scoped3A = tpu.sem_alloc : memref<!tpu.dma_semaphore, #tpu.memory_space<semaphore_mem>>
      %dma_start3A = arith.constant 0 : i32
      %dma_start3A_252 = tpu.memref_slice %arg19[%add3A_221, %dma_start3A] : memref<10240x128xf32, #tpu.memory_space<vmem_shared>> -> memref<128x128xf32, #tpu.memory_space<vmem_shared>>
      %dma_start3A_253 = arith.constant 0 : i32
      %dma_start3A_254 = tpu.memref_slice %arg19[%add3A_221, %dma_start3A_253] : memref<10240x128xf32, #tpu.memory_space<vmem_shared>> -> memref<128x128xf32, #tpu.memory_space<vmem_shared>>
      tpu.enqueue_dma source(%arg26 : memref<128x128xf32, #tpu.memory_space<vmem>>) target(%dma_start3A_254 : memref<128x128xf32, #tpu.memory_space<vmem_shared>>) target_semaphore(%run_scoped3A : memref<!tpu.dma_semaphore, #tpu.memory_space<semaphore_mem>>)
      %dma_wait3A = arith.constant 0 : i32
      %dma_wait3A_255 = tpu.memref_slice %arg19[%add3A_221, %dma_wait3A] : memref<10240x128xf32, #tpu.memory_space<vmem_shared>> -> memref<128x128xf32, #tpu.memory_space<vmem_shared>>
      %dma_wait3A_256 = arith.constant 0 : i32
      %dma_wait3A_257 = tpu.memref_slice %arg19[%add3A_221, %dma_wait3A_256] : memref<10240x128xf32, #tpu.memory_space<vmem_shared>> -> memref<128x128xf32, #tpu.memory_space<vmem_shared>>
      tpu.wait_dma2 semaphore(%run_scoped3A : memref<!tpu.dma_semaphore, #tpu.memory_space<semaphore_mem>>) src(%arg26 : memref<128x128xf32, #tpu.memory_space<vmem>>) dst(%dma_wait3A_257 : memref<128x128xf32, #tpu.memory_space<vmem_shared>>)
      tpu.yield
    }) : () -> ()
    %add3A_222 = arith.constant 128 : i32
    %add3A_223 = arith.addi %mul3A_219, %add3A_222 : i32
    "tpu.region"() ({
      %run_scoped3A = tpu.sem_alloc : memref<!tpu.dma_semaphore, #tpu.memory_space<semaphore_mem>>
      %dma_start3A = arith.constant 0 : i32
      %dma_start3A_252 = tpu.memref_slice %arg19[%add3A_223, %dma_start3A] : memref<10240x128xf32, #tpu.memory_space<vmem_shared>> -> memref<128x128xf32, #tpu.memory_space<vmem_shared>>
      %dma_start3A_253 = arith.constant 0 : i32
      %dma_start3A_254 = tpu.memref_slice %arg19[%add3A_223, %dma_start3A_253] : memref<10240x128xf32, #tpu.memory_space<vmem_shared>> -> memref<128x128xf32, #tpu.memory_space<vmem_shared>>
      tpu.enqueue_dma source(%arg26 : memref<128x128xf32, #tpu.memory_space<vmem>>) target(%dma_start3A_254 : memref<128x128xf32, #tpu.memory_space<vmem_shared>>) target_semaphore(%run_scoped3A : memref<!tpu.dma_semaphore, #tpu.memory_space<semaphore_mem>>)
      %dma_wait3A = arith.constant 0 : i32
      %dma_wait3A_255 = tpu.memref_slice %arg19[%add3A_223, %dma_wait3A] : memref<10240x128xf32, #tpu.memory_space<vmem_shared>> -> memref<128x128xf32, #tpu.memory_space<vmem_shared>>
      %dma_wait3A_256 = arith.constant 0 : i32
      %dma_wait3A_257 = tpu.memref_slice %arg19[%add3A_223, %dma_wait3A_256] : memref<10240x128xf32, #tpu.memory_space<vmem_shared>> -> memref<128x128xf32, #tpu.memory_space<vmem_shared>>
      tpu.wait_dma2 semaphore(%run_scoped3A : memref<!tpu.dma_semaphore, #tpu.memory_space<semaphore_mem>>) src(%arg26 : memref<128x128xf32, #tpu.memory_space<vmem>>) dst(%dma_wait3A_257 : memref<128x128xf32, #tpu.memory_space<vmem_shared>>)
      tpu.yield
    }) : () -> ()
    %add3A_224 = arith.constant 256 : i32
    %add3A_225 = arith.addi %mul3A_219, %add3A_224 : i32
    "tpu.region"() ({
      %run_scoped3A = tpu.sem_alloc : memref<!tpu.dma_semaphore, #tpu.memory_space<semaphore_mem>>
      %dma_start3A = arith.constant 0 : i32
      %dma_start3A_252 = tpu.memref_slice %arg19[%add3A_225, %dma_start3A] : memref<10240x128xf32, #tpu.memory_space<vmem_shared>> -> memref<128x128xf32, #tpu.memory_space<vmem_shared>>
      %dma_start3A_253 = arith.constant 0 : i32
      %dma_start3A_254 = tpu.memref_slice %arg19[%add3A_225, %dma_start3A_253] : memref<10240x128xf32, #tpu.memory_space<vmem_shared>> -> memref<128x128xf32, #tpu.memory_space<vmem_shared>>
      tpu.enqueue_dma source(%arg26 : memref<128x128xf32, #tpu.memory_space<vmem>>) target(%dma_start3A_254 : memref<128x128xf32, #tpu.memory_space<vmem_shared>>) target_semaphore(%run_scoped3A : memref<!tpu.dma_semaphore, #tpu.memory_space<semaphore_mem>>)
      %dma_wait3A = arith.constant 0 : i32
      %dma_wait3A_255 = tpu.memref_slice %arg19[%add3A_225, %dma_wait3A] : memref<10240x128xf32, #tpu.memory_space<vmem_shared>> -> memref<128x128xf32, #tpu.memory_space<vmem_shared>>
      %dma_wait3A_256 = arith.constant 0 : i32
      %dma_wait3A_257 = tpu.memref_slice %arg19[%add3A_225, %dma_wait3A_256] : memref<10240x128xf32, #tpu.memory_space<vmem_shared>> -> memref<128x128xf32, #tpu.memory_space<vmem_shared>>
      tpu.wait_dma2 semaphore(%run_scoped3A : memref<!tpu.dma_semaphore, #tpu.memory_space<semaphore_mem>>) src(%arg26 : memref<128x128xf32, #tpu.memory_space<vmem>>) dst(%dma_wait3A_257 : memref<128x128xf32, #tpu.memory_space<vmem_shared>>)
      tpu.yield
    }) : () -> ()
    %add3A_226 = arith.constant 384 : i32
    %add3A_227 = arith.addi %mul3A_219, %add3A_226 : i32
    "tpu.region"() ({
      %run_scoped3A = tpu.sem_alloc : memref<!tpu.dma_semaphore, #tpu.memory_space<semaphore_mem>>
      %dma_start3A = arith.constant 0 : i32
      %dma_start3A_252 = tpu.memref_slice %arg19[%add3A_227, %dma_start3A] : memref<10240x128xf32, #tpu.memory_space<vmem_shared>> -> memref<128x128xf32, #tpu.memory_space<vmem_shared>>
      %dma_start3A_253 = arith.constant 0 : i32
      %dma_start3A_254 = tpu.memref_slice %arg19[%add3A_227, %dma_start3A_253] : memref<10240x128xf32, #tpu.memory_space<vmem_shared>> -> memref<128x128xf32, #tpu.memory_space<vmem_shared>>
      tpu.enqueue_dma source(%arg26 : memref<128x128xf32, #tpu.memory_space<vmem>>) target(%dma_start3A_254 : memref<128x128xf32, #tpu.memory_space<vmem_shared>>) target_semaphore(%run_scoped3A : memref<!tpu.dma_semaphore, #tpu.memory_space<semaphore_mem>>)
      %dma_wait3A = arith.constant 0 : i32
      %dma_wait3A_255 = tpu.memref_slice %arg19[%add3A_227, %dma_wait3A] : memref<10240x128xf32, #tpu.memory_space<vmem_shared>> -> memref<128x128xf32, #tpu.memory_space<vmem_shared>>
      %dma_wait3A_256 = arith.constant 0 : i32
      %dma_wait3A_257 = tpu.memref_slice %arg19[%add3A_227, %dma_wait3A_256] : memref<10240x128xf32, #tpu.memory_space<vmem_shared>> -> memref<128x128xf32, #tpu.memory_space<vmem_shared>>
      tpu.wait_dma2 semaphore(%run_scoped3A : memref<!tpu.dma_semaphore, #tpu.memory_space<semaphore_mem>>) src(%arg26 : memref<128x128xf32, #tpu.memory_space<vmem>>) dst(%dma_wait3A_257 : memref<128x128xf32, #tpu.memory_space<vmem_shared>>)
      tpu.yield
    }) : () -> ()
    %mul3A_228 = arith.constant 640 : i32
    %mul3A_229 = arith.muli %arg1, %mul3A_228 : i32
    "tpu.region"() ({
      %run_scoped3A = tpu.sem_alloc : memref<!tpu.dma_semaphore, #tpu.memory_space<semaphore_mem>>
      %dma_start3A = tpu.memref_slice %arg20[%mul3A_229] : memref<10240xf32, #tpu.memory_space<vmem_shared>> -> memref<640xf32, #tpu.memory_space<vmem_shared>>
      %dma_start3A_252 = tpu.memref_slice %arg20[%mul3A_229] : memref<10240xf32, #tpu.memory_space<vmem_shared>> -> memref<640xf32, #tpu.memory_space<vmem_shared>>
      tpu.enqueue_dma source(%arg27 : memref<640xf32, #tpu.memory_space<vmem>>) target(%dma_start3A_252 : memref<640xf32, #tpu.memory_space<vmem_shared>>) target_semaphore(%run_scoped3A : memref<!tpu.dma_semaphore, #tpu.memory_space<semaphore_mem>>)
      %dma_wait3A = tpu.memref_slice %arg20[%mul3A_229] : memref<10240xf32, #tpu.memory_space<vmem_shared>> -> memref<640xf32, #tpu.memory_space<vmem_shared>>
      %dma_wait3A_253 = tpu.memref_slice %arg20[%mul3A_229] : memref<10240xf32, #tpu.memory_space<vmem_shared>> -> memref<640xf32, #tpu.memory_space<vmem_shared>>
      tpu.wait_dma2 semaphore(%run_scoped3A : memref<!tpu.dma_semaphore, #tpu.memory_space<semaphore_mem>>) src(%arg27 : memref<640xf32, #tpu.memory_space<vmem>>) dst(%dma_wait3A_253 : memref<640xf32, #tpu.memory_space<vmem_shared>>)
      tpu.yield
    }) : () -> ()
    %barrier3A_230 = arith.constant 0 : index
    tpu.barrier barrier_id(%barrier3A_230)
    %eq3A_231 = arith.constant 0 : i32
    %eq3A_232 = arith.cmpi eq, %arg0, %eq3A_231 : i32
    %convert_element_type3A_233 = arith.extui %eq3A_232 : i1 to i32
    %cond3A_234 = arith.constant 0 : i32
    %cond3A_235 = arith.cmpi ne, %convert_element_type3A_233, %cond3A_234 : i32
    scf.if %cond3A_235 {
      %mul3A_252 = arith.constant 12800 : i32
      %mul3A_253 = arith.muli %arg1, %mul3A_252 : i32
      %scan3A_254 = arith.constant 0 : i32
      %scan3A_255 = arith.constant 0 : i32
      %scan3A_256 = arith.constant 160 : i32
      %scan3A_257 = arith.addi %scan3A_255, %scan3A_256 : i32
      %scan3A_258 = arith.constant 1 : i32
      scf.for %scan3A_260 = %scan3A_255 to %scan3A_257 step %scan3A_258  : i32 {
        %mul3A_261 = arith.constant 80 : i32
        %mul3A_262 = arith.muli %scan3A_260, %mul3A_261 : i32
        %add3A_263 = arith.addi %mul3A_253, %mul3A_262 : i32
        "tpu.region"() ({
          %run_scoped3A = tpu.sem_alloc : memref<!tpu.dma_semaphore, #tpu.memory_space<semaphore_mem>>
          %dma_start3A_272 = tpu.memref_slice %arg7[%add3A_263] : memref<204800xi32, #tpu.memory_space<hbm>> -> memref<80xi32, #tpu.memory_space<hbm>>
          %dma_start3A_273 = tpu.memref_slice %arg7[%add3A_263] : memref<204800xi32, #tpu.memory_space<hbm>> -> memref<80xi32, #tpu.memory_space<hbm>>
          tpu.enqueue_dma source(%dma_start3A_273 : memref<80xi32, #tpu.memory_space<hbm>>) target(%arg21 : memref<80xi32, #tpu.memory_space<vmem>>) target_semaphore(%run_scoped3A : memref<!tpu.dma_semaphore, #tpu.memory_space<semaphore_mem>>)
          %dma_wait3A_274 = tpu.memref_slice %arg7[%add3A_263] : memref<204800xi32, #tpu.memory_space<hbm>> -> memref<80xi32, #tpu.memory_space<hbm>>
          %dma_wait3A_275 = tpu.memref_slice %arg7[%add3A_263] : memref<204800xi32, #tpu.memory_space<hbm>> -> memref<80xi32, #tpu.memory_space<hbm>>
          tpu.wait_dma2 semaphore(%run_scoped3A : memref<!tpu.dma_semaphore, #tpu.memory_space<semaphore_mem>>) src(%dma_wait3A_275 : memref<80xi32, #tpu.memory_space<hbm>>) dst(%arg21 : memref<80xi32, #tpu.memory_space<vmem>>)
          tpu.yield
        }) : () -> ()
        "tpu.region"() ({
          %run_scoped3A = tpu.sem_alloc : memref<!tpu.dma_semaphore, #tpu.memory_space<semaphore_mem>>
          %dma_start3A_272 = tpu.memref_slice %arg8[%add3A_263] : memref<204800xi32, #tpu.memory_space<hbm>> -> memref<80xi32, #tpu.memory_space<hbm>>
          %dma_start3A_273 = tpu.memref_slice %arg8[%add3A_263] : memref<204800xi32, #tpu.memory_space<hbm>> -> memref<80xi32, #tpu.memory_space<hbm>>
          tpu.enqueue_dma source(%dma_start3A_273 : memref<80xi32, #tpu.memory_space<hbm>>) target(%arg22 : memref<80xi32, #tpu.memory_space<vmem>>) target_semaphore(%run_scoped3A : memref<!tpu.dma_semaphore, #tpu.memory_space<semaphore_mem>>)
          %dma_wait3A_274 = tpu.memref_slice %arg8[%add3A_263] : memref<204800xi32, #tpu.memory_space<hbm>> -> memref<80xi32, #tpu.memory_space<hbm>>
          %dma_wait3A_275 = tpu.memref_slice %arg8[%add3A_263] : memref<204800xi32, #tpu.memory_space<hbm>> -> memref<80xi32, #tpu.memory_space<hbm>>
          tpu.wait_dma2 semaphore(%run_scoped3A : memref<!tpu.dma_semaphore, #tpu.memory_space<semaphore_mem>>) src(%dma_wait3A_275 : memref<80xi32, #tpu.memory_space<hbm>>) dst(%arg22 : memref<80xi32, #tpu.memory_space<vmem>>)
          tpu.yield
        }) : () -> ()
        %dma_start3A = arith.constant 0 : i32
        %dma_start3A_264 = tpu.memref_slice %arg6[%dma_start3A] : memref<8000xi32, #tpu.memory_space<hbm>> -> memref<8000xi32, #tpu.memory_space<hbm>>
        tpu.enqueue_indirect_dma source(%dma_start3A_264 : memref<8000xi32, #tpu.memory_space<hbm>>) target(%arg23 : memref<80xi32, #tpu.memory_space<vmem>>) offsets(%arg21 : memref<80xi32, #tpu.memory_space<vmem>>) semaphore(%arg28 : memref<!tpu.dma_semaphore, #tpu.memory_space<semaphore_mem>>)
        %dma_wait3A = arith.constant 0 : i32
        %dma_wait3A_265 = tpu.memref_slice %arg6[%dma_wait3A] : memref<8000xi32, #tpu.memory_space<hbm>> -> memref<8000xi32, #tpu.memory_space<hbm>>
        tpu.wait_indirect_dma semaphore(%arg28 : memref<!tpu.dma_semaphore, #tpu.memory_space<semaphore_mem>>) src(%dma_wait3A_265 : memref<8000xi32, #tpu.memory_space<hbm>>) dst(%arg23 : memref<80xi32, #tpu.memory_space<vmem>>)
        %dma_start3A_266 = arith.constant 0 : i32
        %dma_start3A_267 = arith.constant 0 : i32
        %dma_start3A_268 = tpu.memref_slice %arg2[%dma_start3A_266, %dma_start3A_267] : memref<10000x128xf32, #tpu.memory_space<hbm>> -> memref<10000x128xf32, #tpu.memory_space<hbm>>
        tpu.enqueue_indirect_dma source(%dma_start3A_268 : memref<10000x128xf32, #tpu.memory_space<hbm>>) target(%arg24 : memref<80x128xf32, #tpu.memory_space<vmem>>) offsets(%arg23 : memref<80xi32, #tpu.memory_space<vmem>>) semaphore(%arg28 : memref<!tpu.dma_semaphore, #tpu.memory_space<semaphore_mem>>)
        %dma_wait3A_269 = arith.constant 0 : i32
        %dma_wait3A_270 = arith.constant 0 : i32
        %dma_wait3A_271 = tpu.memref_slice %arg2[%dma_wait3A_269, %dma_wait3A_270] : memref<10000x128xf32, #tpu.memory_space<hbm>> -> memref<10000x128xf32, #tpu.memory_space<hbm>>
        tpu.wait_indirect_dma semaphore(%arg28 : memref<!tpu.dma_semaphore, #tpu.memory_space<semaphore_mem>>) src(%dma_wait3A_271 : memref<10000x128xf32, #tpu.memory_space<hbm>>) dst(%arg24 : memref<80x128xf32, #tpu.memory_space<vmem>>)
        "tpu.region"() ({
          %run_scoped3A = tpu.sem_alloc : memref<!tpu.dma_semaphore, #tpu.memory_space<semaphore_mem>>
          %dma_start3A_272 = arith.constant 0 : i32
          %dma_start3A_273 = arith.constant 0 : i32
          %dma_start3A_274 = tpu.memref_slice %arg19[%dma_start3A_272, %dma_start3A_273] : memref<10240x128xf32, #tpu.memory_space<vmem_shared>> -> memref<10240x128xf32, #tpu.memory_space<vmem_shared>>
          tpu.enqueue_indirect_dma source(%arg24 : memref<80x128xf32, #tpu.memory_space<vmem>>) target(%dma_start3A_274 : memref<10240x128xf32, #tpu.memory_space<vmem_shared>>) offsets(%arg22 : memref<80xi32, #tpu.memory_space<vmem>>) semaphore(%run_scoped3A : memref<!tpu.dma_semaphore, #tpu.memory_space<semaphore_mem>>) {add = true}
          %dma_wait3A_275 = arith.constant 0 : i32
          %dma_wait3A_276 = arith.constant 0 : i32
          %dma_wait3A_277 = tpu.memref_slice %arg19[%dma_wait3A_275, %dma_wait3A_276] : memref<10240x128xf32, #tpu.memory_space<vmem_shared>> -> memref<10240x128xf32, #tpu.memory_space<vmem_shared>>
          tpu.wait_indirect_dma semaphore(%run_scoped3A : memref<!tpu.dma_semaphore, #tpu.memory_space<semaphore_mem>>) src(%arg24 : memref<80x128xf32, #tpu.memory_space<vmem>>) dst(%dma_wait3A_277 : memref<10240x128xf32, #tpu.memory_space<vmem_shared>>)
          tpu.yield
        }) : () -> ()
        "tpu.region"() ({
          %run_scoped3A = tpu.sem_alloc : memref<!tpu.dma_semaphore, #tpu.memory_space<semaphore_mem>>
          %dma_start3A_272 = arith.constant 0 : i32
          %dma_start3A_273 = tpu.memref_slice %arg20[%dma_start3A_272] : memref<10240xf32, #tpu.memory_space<vmem_shared>> -> memref<10240xf32, #tpu.memory_space<vmem_shared>>
          tpu.enqueue_indirect_dma source(%arg25 : memref<80xf32, #tpu.memory_space<vmem>>) target(%dma_start3A_273 : memref<10240xf32, #tpu.memory_space<vmem_shared>>) offsets(%arg22 : memref<80xi32, #tpu.memory_space<vmem>>) semaphore(%run_scoped3A : memref<!tpu.dma_semaphore, #tpu.memory_space<semaphore_mem>>) {add = true}
          %dma_wait3A_274 = arith.constant 0 : i32
          %dma_wait3A_275 = tpu.memref_slice %arg20[%dma_wait3A_274] : memref<10240xf32, #tpu.memory_space<vmem_shared>> -> memref<10240xf32, #tpu.memory_space<vmem_shared>>
          tpu.wait_indirect_dma semaphore(%run_scoped3A : memref<!tpu.dma_semaphore, #tpu.memory_space<semaphore_mem>>) src(%arg25 : memref<80xf32, #tpu.memory_space<vmem>>) dst(%dma_wait3A_275 : memref<10240xf32, #tpu.memory_space<vmem_shared>>)
          tpu.yield
        }) : () -> ()
      }
      %scan3A_259 = arith.constant 160 : i32
    } else {
    }
    %eq3A_236 = arith.constant 1 : i32
    %eq3A_237 = arith.cmpi eq, %arg0, %eq3A_236 : i32
    %convert_element_type3A_238 = arith.extui %eq3A_237 : i1 to i32
    %cond3A_239 = arith.constant 0 : i32
    %cond3A_240 = arith.cmpi ne, %convert_element_type3A_238, %cond3A_239 : i32
    scf.if %cond3A_240 {
      %mul3A_252 = arith.constant 12800 : i32
      %mul3A_253 = arith.muli %arg1, %mul3A_252 : i32
      %scan3A_254 = arith.constant 0 : i32
      %scan3A_255 = arith.constant 0 : i32
      %scan3A_256 = arith.constant 160 : i32
      %scan3A_257 = arith.addi %scan3A_255, %scan3A_256 : i32
      %scan3A_258 = arith.constant 1 : i32
      scf.for %scan3A_260 = %scan3A_255 to %scan3A_257 step %scan3A_258  : i32 {
        %mul3A_261 = arith.constant 80 : i32
        %mul3A_262 = arith.muli %scan3A_260, %mul3A_261 : i32
        %add3A_263 = arith.addi %mul3A_253, %mul3A_262 : i32
        "tpu.region"() ({
          %run_scoped3A = tpu.sem_alloc : memref<!tpu.dma_semaphore, #tpu.memory_space<semaphore_mem>>
          %dma_start3A_272 = tpu.memref_slice %arg10[%add3A_263] : memref<204800xi32, #tpu.memory_space<hbm>> -> memref<80xi32, #tpu.memory_space<hbm>>
          %dma_start3A_273 = tpu.memref_slice %arg10[%add3A_263] : memref<204800xi32, #tpu.memory_space<hbm>> -> memref<80xi32, #tpu.memory_space<hbm>>
          tpu.enqueue_dma source(%dma_start3A_273 : memref<80xi32, #tpu.memory_space<hbm>>) target(%arg21 : memref<80xi32, #tpu.memory_space<vmem>>) target_semaphore(%run_scoped3A : memref<!tpu.dma_semaphore, #tpu.memory_space<semaphore_mem>>)
          %dma_wait3A_274 = tpu.memref_slice %arg10[%add3A_263] : memref<204800xi32, #tpu.memory_space<hbm>> -> memref<80xi32, #tpu.memory_space<hbm>>
          %dma_wait3A_275 = tpu.memref_slice %arg10[%add3A_263] : memref<204800xi32, #tpu.memory_space<hbm>> -> memref<80xi32, #tpu.memory_space<hbm>>
          tpu.wait_dma2 semaphore(%run_scoped3A : memref<!tpu.dma_semaphore, #tpu.memory_space<semaphore_mem>>) src(%dma_wait3A_275 : memref<80xi32, #tpu.memory_space<hbm>>) dst(%arg21 : memref<80xi32, #tpu.memory_space<vmem>>)
          tpu.yield
        }) : () -> ()
        "tpu.region"() ({
          %run_scoped3A = tpu.sem_alloc : memref<!tpu.dma_semaphore, #tpu.memory_space<semaphore_mem>>
          %dma_start3A_272 = tpu.memref_slice %arg11[%add3A_263] : memref<204800xi32, #tpu.memory_space<hbm>> -> memref<80xi32, #tpu.memory_space<hbm>>
          %dma_start3A_273 = tpu.memref_slice %arg11[%add3A_263] : memref<204800xi32, #tpu.memory_space<hbm>> -> memref<80xi32, #tpu.memory_space<hbm>>
          tpu.enqueue_dma source(%dma_start3A_273 : memref<80xi32, #tpu.memory_space<hbm>>) target(%arg22 : memref<80xi32, #tpu.memory_space<vmem>>) target_semaphore(%run_scoped3A : memref<!tpu.dma_semaphore, #tpu.memory_space<semaphore_mem>>)
          %dma_wait3A_274 = tpu.memref_slice %arg11[%add3A_263] : memref<204800xi32, #tpu.memory_space<hbm>> -> memref<80xi32, #tpu.memory_space<hbm>>
          %dma_wait3A_275 = tpu.memref_slice %arg11[%add3A_263] : memref<204800xi32, #tpu.memory_space<hbm>> -> memref<80xi32, #tpu.memory_space<hbm>>
          tpu.wait_dma2 semaphore(%run_scoped3A : memref<!tpu.dma_semaphore, #tpu.memory_space<semaphore_mem>>) src(%dma_wait3A_275 : memref<80xi32, #tpu.memory_space<hbm>>) dst(%arg22 : memref<80xi32, #tpu.memory_space<vmem>>)
          tpu.yield
        }) : () -> ()
        %dma_start3A = arith.constant 0 : i32
        %dma_start3A_264 = tpu.memref_slice %arg9[%dma_start3A] : memref<8000xi32, #tpu.memory_space<hbm>> -> memref<8000xi32, #tpu.memory_space<hbm>>
        tpu.enqueue_indirect_dma source(%dma_start3A_264 : memref<8000xi32, #tpu.memory_space<hbm>>) target(%arg23 : memref<80xi32, #tpu.memory_space<vmem>>) offsets(%arg21 : memref<80xi32, #tpu.memory_space<vmem>>) semaphore(%arg28 : memref<!tpu.dma_semaphore, #tpu.memory_space<semaphore_mem>>)
        %dma_wait3A = arith.constant 0 : i32
        %dma_wait3A_265 = tpu.memref_slice %arg9[%dma_wait3A] : memref<8000xi32, #tpu.memory_space<hbm>> -> memref<8000xi32, #tpu.memory_space<hbm>>
        tpu.wait_indirect_dma semaphore(%arg28 : memref<!tpu.dma_semaphore, #tpu.memory_space<semaphore_mem>>) src(%dma_wait3A_265 : memref<8000xi32, #tpu.memory_space<hbm>>) dst(%arg23 : memref<80xi32, #tpu.memory_space<vmem>>)
        %dma_start3A_266 = arith.constant 0 : i32
        %dma_start3A_267 = arith.constant 0 : i32
        %dma_start3A_268 = tpu.memref_slice %arg2[%dma_start3A_266, %dma_start3A_267] : memref<10000x128xf32, #tpu.memory_space<hbm>> -> memref<10000x128xf32, #tpu.memory_space<hbm>>
        tpu.enqueue_indirect_dma source(%dma_start3A_268 : memref<10000x128xf32, #tpu.memory_space<hbm>>) target(%arg24 : memref<80x128xf32, #tpu.memory_space<vmem>>) offsets(%arg23 : memref<80xi32, #tpu.memory_space<vmem>>) semaphore(%arg28 : memref<!tpu.dma_semaphore, #tpu.memory_space<semaphore_mem>>)
        %dma_wait3A_269 = arith.constant 0 : i32
        %dma_wait3A_270 = arith.constant 0 : i32
        %dma_wait3A_271 = tpu.memref_slice %arg2[%dma_wait3A_269, %dma_wait3A_270] : memref<10000x128xf32, #tpu.memory_space<hbm>> -> memref<10000x128xf32, #tpu.memory_space<hbm>>
        tpu.wait_indirect_dma semaphore(%arg28 : memref<!tpu.dma_semaphore, #tpu.memory_space<semaphore_mem>>) src(%dma_wait3A_271 : memref<10000x128xf32, #tpu.memory_space<hbm>>) dst(%arg24 : memref<80x128xf32, #tpu.memory_space<vmem>>)
        "tpu.region"() ({
          %run_scoped3A = tpu.sem_alloc : memref<!tpu.dma_semaphore, #tpu.memory_space<semaphore_mem>>
          %dma_start3A_272 = arith.constant 0 : i32
          %dma_start3A_273 = arith.constant 0 : i32
          %dma_start3A_274 = tpu.memref_slice %arg19[%dma_start3A_272, %dma_start3A_273] : memref<10240x128xf32, #tpu.memory_space<vmem_shared>> -> memref<10240x128xf32, #tpu.memory_space<vmem_shared>>
          tpu.enqueue_indirect_dma source(%arg24 : memref<80x128xf32, #tpu.memory_space<vmem>>) target(%dma_start3A_274 : memref<10240x128xf32, #tpu.memory_space<vmem_shared>>) offsets(%arg22 : memref<80xi32, #tpu.memory_space<vmem>>) semaphore(%run_scoped3A : memref<!tpu.dma_semaphore, #tpu.memory_space<semaphore_mem>>) {add = true}
          %dma_wait3A_275 = arith.constant 0 : i32
          %dma_wait3A_276 = arith.constant 0 : i32
          %dma_wait3A_277 = tpu.memref_slice %arg19[%dma_wait3A_275, %dma_wait3A_276] : memref<10240x128xf32, #tpu.memory_space<vmem_shared>> -> memref<10240x128xf32, #tpu.memory_space<vmem_shared>>
          tpu.wait_indirect_dma semaphore(%run_scoped3A : memref<!tpu.dma_semaphore, #tpu.memory_space<semaphore_mem>>) src(%arg24 : memref<80x128xf32, #tpu.memory_space<vmem>>) dst(%dma_wait3A_277 : memref<10240x128xf32, #tpu.memory_space<vmem_shared>>)
          tpu.yield
        }) : () -> ()
        "tpu.region"() ({
          %run_scoped3A = tpu.sem_alloc : memref<!tpu.dma_semaphore, #tpu.memory_space<semaphore_mem>>
          %dma_start3A_272 = arith.constant 0 : i32
          %dma_start3A_273 = tpu.memref_slice %arg20[%dma_start3A_272] : memref<10240xf32, #tpu.memory_space<vmem_shared>> -> memref<10240xf32, #tpu.memory_space<vmem_shared>>
          tpu.enqueue_indirect_dma source(%arg25 : memref<80xf32, #tpu.memory_space<vmem>>) target(%dma_start3A_273 : memref<10240xf32, #tpu.memory_space<vmem_shared>>) offsets(%arg22 : memref<80xi32, #tpu.memory_space<vmem>>) semaphore(%run_scoped3A : memref<!tpu.dma_semaphore, #tpu.memory_space<semaphore_mem>>) {add = true}
          %dma_wait3A_274 = arith.constant 0 : i32
          %dma_wait3A_275 = tpu.memref_slice %arg20[%dma_wait3A_274] : memref<10240xf32, #tpu.memory_space<vmem_shared>> -> memref<10240xf32, #tpu.memory_space<vmem_shared>>
          tpu.wait_indirect_dma semaphore(%run_scoped3A : memref<!tpu.dma_semaphore, #tpu.memory_space<semaphore_mem>>) src(%arg25 : memref<80xf32, #tpu.memory_space<vmem>>) dst(%dma_wait3A_275 : memref<10240xf32, #tpu.memory_space<vmem_shared>>)
          tpu.yield
        }) : () -> ()
      }
      %scan3A_259 = arith.constant 160 : i32
    } else {
    }
    %barrier3A_241 = arith.constant 0 : index
    tpu.barrier barrier_id(%barrier3A_241)
    %eq3A_242 = arith.constant 0 : i32
    %eq3A_243 = arith.cmpi eq, %arg0, %eq3A_242 : i32
    %convert_element_type3A_244 = arith.extui %eq3A_243 : i1 to i32
    %cond3A_245 = arith.constant 0 : i32
    %cond3A_246 = arith.cmpi ne, %convert_element_type3A_244, %cond3A_245 : i32
    scf.if %cond3A_246 {
      %mul3A_252 = arith.constant 512 : i32
      %mul3A_253 = arith.muli %arg1, %mul3A_252 : i32
      "tpu.region"() ({
        %run_scoped3A = tpu.sem_alloc : memref<!tpu.dma_semaphore, #tpu.memory_space<semaphore_mem>>
        %dma_start3A = arith.constant 0 : i32
        %dma_start3A_258 = tpu.memref_slice %arg14[%mul3A_253, %dma_start3A] : memref<8192x128xf32, #tpu.memory_space<hbm>> -> memref<512x128xf32, #tpu.memory_space<hbm>>
        %dma_start3A_259 = arith.constant 0 : i32
        %dma_start3A_260 = tpu.memref_slice %arg19[%mul3A_253, %dma_start3A_259] : memref<10240x128xf32, #tpu.memory_space<vmem_shared>> -> memref<512x128xf32, #tpu.memory_space<vmem_shared>>
        tpu.enqueue_dma source(%dma_start3A_260 : memref<512x128xf32, #tpu.memory_space<vmem_shared>>) target(%dma_start3A_258 : memref<512x128xf32, #tpu.memory_space<hbm>>) target_semaphore(%run_scoped3A : memref<!tpu.dma_semaphore, #tpu.memory_space<semaphore_mem>>)
        %dma_wait3A = arith.constant 0 : i32
        %dma_wait3A_261 = tpu.memref_slice %arg14[%mul3A_253, %dma_wait3A] : memref<8192x128xf32, #tpu.memory_space<hbm>> -> memref<512x128xf32, #tpu.memory_space<hbm>>
        %dma_wait3A_262 = arith.constant 0 : i32
        %dma_wait3A_263 = tpu.memref_slice %arg19[%mul3A_253, %dma_wait3A_262] : memref<10240x128xf32, #tpu.memory_space<vmem_shared>> -> memref<512x128xf32, #tpu.memory_space<vmem_shared>>
        tpu.wait_dma2 semaphore(%run_scoped3A : memref<!tpu.dma_semaphore, #tpu.memory_space<semaphore_mem>>) src(%dma_wait3A_263 : memref<512x128xf32, #tpu.memory_space<vmem_shared>>) dst(%dma_wait3A_261 : memref<512x128xf32, #tpu.memory_space<hbm>>)
        tpu.yield
      }) : () -> ()
      %mul3A_254 = arith.constant 640 : i32
      %mul3A_255 = arith.muli %arg1, %mul3A_254 : i32
      %mul3A_256 = arith.constant 640 : i32
      %mul3A_257 = arith.muli %arg1, %mul3A_256 : i32
      "tpu.region"() ({
        %run_scoped3A = tpu.sem_alloc : memref<!tpu.dma_semaphore, #tpu.memory_space<semaphore_mem>>
        %dma_start3A = tpu.memref_slice %arg17[%mul3A_257] : memref<10240xf32, #tpu.memory_space<hbm>> -> memref<640xf32, #tpu.memory_space<hbm>>
        %dma_start3A_258 = tpu.memref_slice %arg20[%mul3A_255] : memref<10240xf32, #tpu.memory_space<vmem_shared>> -> memref<640xf32, #tpu.memory_space<vmem_shared>>
        tpu.enqueue_dma source(%dma_start3A_258 : memref<640xf32, #tpu.memory_space<vmem_shared>>) target(%dma_start3A : memref<640xf32, #tpu.memory_space<hbm>>) target_semaphore(%run_scoped3A : memref<!tpu.dma_semaphore, #tpu.memory_space<semaphore_mem>>)
        %dma_wait3A = tpu.memref_slice %arg17[%mul3A_257] : memref<10240xf32, #tpu.memory_space<hbm>> -> memref<640xf32, #tpu.memory_space<hbm>>
        %dma_wait3A_259 = tpu.memref_slice %arg20[%mul3A_255] : memref<10240xf32, #tpu.memory_space<vmem_shared>> -> memref<640xf32, #tpu.memory_space<vmem_shared>>
        tpu.wait_dma2 semaphore(%run_scoped3A : memref<!tpu.dma_semaphore, #tpu.memory_space<semaphore_mem>>) src(%dma_wait3A_259 : memref<640xf32, #tpu.memory_space<vmem_shared>>) dst(%dma_wait3A : memref<640xf32, #tpu.memory_space<hbm>>)
        tpu.yield
      }) : () -> ()
    } else {
    }
    %eq3A_247 = arith.constant 1 : i32
    %eq3A_248 = arith.cmpi eq, %arg0, %eq3A_247 : i32
    %convert_element_type3A_249 = arith.extui %eq3A_248 : i1 to i32
    %cond3A_250 = arith.constant 0 : i32
    %cond3A_251 = arith.cmpi ne, %convert_element_type3A_249, %cond3A_250 : i32
    scf.if %cond3A_251 {
      %mul3A_252 = arith.constant 512 : i32
      %mul3A_253 = arith.muli %arg1, %mul3A_252 : i32
      "tpu.region"() ({
        %run_scoped3A = tpu.sem_alloc : memref<!tpu.dma_semaphore, #tpu.memory_space<semaphore_mem>>
        %dma_start3A = arith.constant 0 : i32
        %dma_start3A_258 = tpu.memref_slice %arg15[%mul3A_253, %dma_start3A] : memref<8192x128xf32, #tpu.memory_space<hbm>> -> memref<512x128xf32, #tpu.memory_space<hbm>>
        %dma_start3A_259 = arith.constant 0 : i32
        %dma_start3A_260 = tpu.memref_slice %arg19[%mul3A_253, %dma_start3A_259] : memref<10240x128xf32, #tpu.memory_space<vmem_shared>> -> memref<512x128xf32, #tpu.memory_space<vmem_shared>>
        tpu.enqueue_dma source(%dma_start3A_260 : memref<512x128xf32, #tpu.memory_space<vmem_shared>>) target(%dma_start3A_258 : memref<512x128xf32, #tpu.memory_space<hbm>>) target_semaphore(%run_scoped3A : memref<!tpu.dma_semaphore, #tpu.memory_space<semaphore_mem>>)
        %dma_wait3A = arith.constant 0 : i32
        %dma_wait3A_261 = tpu.memref_slice %arg15[%mul3A_253, %dma_wait3A] : memref<8192x128xf32, #tpu.memory_space<hbm>> -> memref<512x128xf32, #tpu.memory_space<hbm>>
        %dma_wait3A_262 = arith.constant 0 : i32
        %dma_wait3A_263 = tpu.memref_slice %arg19[%mul3A_253, %dma_wait3A_262] : memref<10240x128xf32, #tpu.memory_space<vmem_shared>> -> memref<512x128xf32, #tpu.memory_space<vmem_shared>>
        tpu.wait_dma2 semaphore(%run_scoped3A : memref<!tpu.dma_semaphore, #tpu.memory_space<semaphore_mem>>) src(%dma_wait3A_263 : memref<512x128xf32, #tpu.memory_space<vmem_shared>>) dst(%dma_wait3A_261 : memref<512x128xf32, #tpu.memory_space<hbm>>)
        tpu.yield
      }) : () -> ()
      %mul3A_254 = arith.constant 640 : i32
      %mul3A_255 = arith.muli %arg1, %mul3A_254 : i32
      %mul3A_256 = arith.constant 640 : i32
      %mul3A_257 = arith.muli %arg1, %mul3A_256 : i32
      "tpu.region"() ({
        %run_scoped3A = tpu.sem_alloc : memref<!tpu.dma_semaphore, #tpu.memory_space<semaphore_mem>>
        %dma_start3A = tpu.memref_slice %arg18[%mul3A_257] : memref<10240xf32, #tpu.memory_space<hbm>> -> memref<640xf32, #tpu.memory_space<hbm>>
        %dma_start3A_258 = tpu.memref_slice %arg20[%mul3A_255] : memref<10240xf32, #tpu.memory_space<vmem_shared>> -> memref<640xf32, #tpu.memory_space<vmem_shared>>
        tpu.enqueue_dma source(%dma_start3A_258 : memref<640xf32, #tpu.memory_space<vmem_shared>>) target(%dma_start3A : memref<640xf32, #tpu.memory_space<hbm>>) target_semaphore(%run_scoped3A : memref<!tpu.dma_semaphore, #tpu.memory_space<semaphore_mem>>)
        %dma_wait3A = tpu.memref_slice %arg18[%mul3A_257] : memref<10240xf32, #tpu.memory_space<hbm>> -> memref<640xf32, #tpu.memory_space<hbm>>
        %dma_wait3A_259 = tpu.memref_slice %arg20[%mul3A_255] : memref<10240xf32, #tpu.memory_space<vmem_shared>> -> memref<640xf32, #tpu.memory_space<vmem_shared>>
        tpu.wait_dma2 semaphore(%run_scoped3A : memref<!tpu.dma_semaphore, #tpu.memory_space<semaphore_mem>>) src(%dma_wait3A_259 : memref<640xf32, #tpu.memory_space<vmem_shared>>) dst(%dma_wait3A : memref<640xf32, #tpu.memory_space<hbm>>)
        tpu.yield
      }) : () -> ()
    } else {
    }
    return
  }
}

module attributes {stable_mosaic.version = 14 : i64} {
  func.func @_mm_kernel(%arg0: i32, %arg1: memref<1000x128xf32, #tpu.memory_space<vmem>>, %arg2: memref<128x128xf32, #tpu.memory_space<vmem>>, %arg3: memref<1000x128xf32, #tpu.memory_space<vmem>>) attributes {dimension_semantics = [#tpu.dimension_semantics<arbitrary>], iteration_bounds = array<i64: 10>, scalar_prefetch = 0 : i64, scratch_operands = 0 : i64, tpu.core_type = #tpu.core_type<tc>, window_params = [{transform_indices = @transform_0, window_bounds = array<i64: 1000, 128>}, {pipeline_mode = #tpu.pipeline_mode<synchronous>, transform_indices = @transform_1, window_bounds = array<i64: 128, 128>}, {transform_indices = @transform_2, window_bounds = array<i64: 1000, 128>}]} {
    %get3A = arith.constant 0 : index
    %get3A_0 = arith.constant 0 : index
    %get3A_1 = vector.load %arg1[%get3A, %get3A_0] : memref<1000x128xf32, #tpu.memory_space<vmem>>, vector<1000x128xf32>
    %get3A_2 = arith.constant 0 : index
    %get3A_3 = arith.constant 0 : index
    %get3A_4 = vector.load %arg2[%get3A_2, %get3A_3] : memref<128x128xf32, #tpu.memory_space<vmem>>, vector<128x128xf32>
    %dot_general3A = arith.constant dense<0.000000e+00> : vector<1000x128xf32>
    %dot_general3A_5 = tpu.matmul %get3A_1, %get3A_4, %dot_general3A {dimension_numbers = #tpu.dot_dimension_numbers<[1], [0], [0], [1], [0, 0, 1, 1], [], []>, transpose_lhs_hint = false} : vector<1000x128xf32>, vector<128x128xf32>, vector<1000x128xf32> -> vector<1000x128xf32>
    %swap3A = arith.constant 0 : index
    %swap3A_6 = arith.constant 0 : index
    %swap3A_7 = vector.load %arg3[%swap3A, %swap3A_6] : memref<1000x128xf32, #tpu.memory_space<vmem>>, vector<1000x128xf32>
    tpu.vector_store %arg3[%swap3A, %swap3A_6], %dot_general3A_5 {strides = array<i32>} : memref<1000x128xf32, #tpu.memory_space<vmem>>, vector<1000x128xf32>,
    return
  }
  func.func @transform_0(%arg0: i32) -> (i32, i32) {
    %c0_i32 = arith.constant 0 : i32
    %c0_i32_0 = arith.constant 0 : i32
    return %arg0, %c0_i32 : i32, i32
  }
  func.func @transform_1(%arg0: i32) -> (i32, i32) {
    %c0_i32 = arith.constant 0 : i32
    %c0_i32_0 = arith.constant 0 : i32
    %c0_i32_1 = arith.constant 0 : i32
    return %c0_i32, %c0_i32_0 : i32, i32
  }
  func.func @transform_2(%arg0: i32) -> (i32, i32) {
    %c0_i32 = arith.constant 0 : i32
    %c0_i32_0 = arith.constant 0 : i32
    return %arg0, %c0_i32 : i32, i32
  }
}

module attributes {stable_mosaic.version = 14 : i64} {
  func.func @_summary_kernel(%arg0: i32, %arg1: memref<1000x128xf32, #tpu.memory_space<vmem>>, %arg2: memref<1000x128xf32, #tpu.memory_space<vmem>>, %arg3: memref<1000x1xf32, #tpu.memory_space<vmem>>, %arg4: memref<1000x1xf32, #tpu.memory_space<vmem>>, %arg5: memref<2x128xf32, #tpu.memory_space<vmem>>) attributes {dimension_semantics = [#tpu.dimension_semantics<arbitrary>], iteration_bounds = array<i64: 8>, scalar_prefetch = 0 : i64, scratch_operands = 0 : i64, tpu.core_type = #tpu.core_type<tc>, window_params = [{transform_indices = @transform_0, window_bounds = array<i64: 1000, 128>}, {transform_indices = @transform_1, window_bounds = array<i64: 1000, 128>}, {transform_indices = @transform_2, window_bounds = array<i64: 1000, 1>}, {transform_indices = @transform_3, window_bounds = array<i64: 1000, 1>}, {pipeline_mode = #tpu.pipeline_mode<synchronous>, transform_indices = @transform_4, window_bounds = array<i64: 2, 128>}]} {
    %eq3A = arith.constant 0 : i32
    %eq3A_0 = arith.cmpi eq, %arg0, %eq3A : i32
    %convert_element_type3A = arith.extui %eq3A_0 : i1 to i32
    %cond3A = arith.constant 0 : i32
    %cond3A_1 = arith.cmpi ne, %convert_element_type3A, %cond3A : i32
    scf.if %cond3A_1 {
      %broadcast_in_dim3A_43 = arith.constant 0.000000e+00 : f32
      %broadcast_in_dim3A_44 = vector.broadcast %broadcast_in_dim3A_43 : f32 to vector<2x128xf32>
      %swap3A_45 = arith.constant 0 : index
      %swap3A_46 = arith.constant 0 : index
      %swap3A_47 = vector.load %arg5[%swap3A_45, %swap3A_46] : memref<2x128xf32, #tpu.memory_space<vmem>>, vector<2x128xf32>
      tpu.vector_store %arg5[%swap3A_45, %swap3A_46], %broadcast_in_dim3A_44 {strides = array<i32>} : memref<2x128xf32, #tpu.memory_space<vmem>>, vector<2x128xf32>,
    } else {
    }
    %get3A = arith.constant 0 : index
    %get3A_2 = arith.constant 0 : index
    %get3A_3 = vector.load %arg1[%get3A, %get3A_2] : memref<1000x128xf32, #tpu.memory_space<vmem>>, vector<1000x128xf32>
    %max3A = arith.constant 0.000000e+00 : f32
    %max3A_4 = vector.broadcast %max3A : f32 to vector<1000x128xf32>
    %max3A_5 = arith.maximumf %get3A_3, %max3A_4 : vector<1000x128xf32>
    %get3A_6 = arith.constant 0 : index
    %get3A_7 = arith.constant 0 : index
    %get3A_8 = vector.load %arg3[%get3A_6, %get3A_7] : memref<1000x1xf32, #tpu.memory_space<vmem>>, vector<1000x1xf32>
    %max3A_9 = arith.constant 1.000000e+00 : f32
    %max3A_10 = vector.broadcast %max3A_9 : f32 to vector<1000x1xf32>
    %max3A_11 = arith.maximumf %get3A_8, %max3A_10 : vector<1000x1xf32>
    %div3A = vector.broadcast %max3A_11 : vector<1000x1xf32> to vector<1000x128xf32>
    %div3A_12 = arith.divf %max3A_5, %div3A : vector<1000x128xf32>
    %get3A_13 = arith.constant 0 : index
    %get3A_14 = arith.constant 0 : index
    %get3A_15 = vector.load %arg2[%get3A_13, %get3A_14] : memref<1000x128xf32, #tpu.memory_space<vmem>>, vector<1000x128xf32>
    %max3A_16 = arith.constant 0.000000e+00 : f32
    %max3A_17 = vector.broadcast %max3A_16 : f32 to vector<1000x128xf32>
    %max3A_18 = arith.maximumf %get3A_15, %max3A_17 : vector<1000x128xf32>
    %get3A_19 = arith.constant 0 : index
    %get3A_20 = arith.constant 0 : index
    %get3A_21 = vector.load %arg4[%get3A_19, %get3A_20] : memref<1000x1xf32, #tpu.memory_space<vmem>>, vector<1000x1xf32>
    %max3A_22 = arith.constant 1.000000e+00 : f32
    %max3A_23 = vector.broadcast %max3A_22 : f32 to vector<1000x1xf32>
    %max3A_24 = arith.maximumf %get3A_21, %max3A_23 : vector<1000x1xf32>
    %div3A_25 = vector.broadcast %max3A_24 : vector<1000x1xf32> to vector<1000x128xf32>
    %div3A_26 = arith.divf %max3A_18, %div3A_25 : vector<1000x128xf32>
    %get3A_27 = arith.constant 0 : index
    %get3A_28 = arith.constant 0 : index
    %get3A_29 = vector.load %arg5[%get3A_27, %get3A_28] : memref<2x128xf32, #tpu.memory_space<vmem>>, vector<1x128xf32>
    %reduce_sum3A = arith.constant dense<0.000000e+00> : vector<128xf32>
    %reduce_sum3A_30 = vector.multi_reduction <add>, %div3A_12, %reduce_sum3A [0] : vector<1000x128xf32> to vector<128xf32>
    %broadcast_in_dim3A = vector.shape_cast %reduce_sum3A_30 : vector<128xf32> to vector<1x128xf32>
    %add3A = arith.addf %get3A_29, %broadcast_in_dim3A : vector<1x128xf32>
    %swap3A = arith.constant 0 : index
    %swap3A_31 = arith.constant 0 : index
    %swap3A_32 = vector.load %arg5[%swap3A, %swap3A_31] : memref<2x128xf32, #tpu.memory_space<vmem>>, vector<1x128xf32>
    tpu.vector_store %arg5[%swap3A, %swap3A_31], %add3A {strides = array<i32>} : memref<2x128xf32, #tpu.memory_space<vmem>>, vector<1x128xf32>,
    %get3A_33 = arith.constant 1 : index
    %get3A_34 = arith.constant 0 : index
    %get3A_35 = vector.load %arg5[%get3A_33, %get3A_34] : memref<2x128xf32, #tpu.memory_space<vmem>>, vector<1x128xf32>
    %reduce_sum3A_36 = arith.constant dense<0.000000e+00> : vector<128xf32>
    %reduce_sum3A_37 = vector.multi_reduction <add>, %div3A_26, %reduce_sum3A_36 [0] : vector<1000x128xf32> to vector<128xf32>
    %broadcast_in_dim3A_38 = vector.shape_cast %reduce_sum3A_37 : vector<128xf32> to vector<1x128xf32>
    %add3A_39 = arith.addf %get3A_35, %broadcast_in_dim3A_38 : vector<1x128xf32>
    %swap3A_40 = arith.constant 1 : index
    %swap3A_41 = arith.constant 0 : index
    %swap3A_42 = vector.load %arg5[%swap3A_40, %swap3A_41] : memref<2x128xf32, #tpu.memory_space<vmem>>, vector<1x128xf32>
    tpu.vector_store %arg5[%swap3A_40, %swap3A_41], %add3A_39 {strides = array<i32>} : memref<2x128xf32, #tpu.memory_space<vmem>>, vector<1x128xf32>,
    return
  }
  func.func @transform_0(%arg0: i32) -> (i32, i32) {
    %c0_i32 = arith.constant 0 : i32
    %c0_i32_0 = arith.constant 0 : i32
    return %arg0, %c0_i32 : i32, i32
  }
  func.func @transform_1(%arg0: i32) -> (i32, i32) {
    %c0_i32 = arith.constant 0 : i32
    %c0_i32_0 = arith.constant 0 : i32
    return %arg0, %c0_i32 : i32, i32
  }
  func.func @transform_2(%arg0: i32) -> (i32, i32) {
    %c0_i32 = arith.constant 0 : i32
    %c0_i32_0 = arith.constant 0 : i32
    return %arg0, %c0_i32 : i32, i32
  }
  func.func @transform_3(%arg0: i32) -> (i32, i32) {
    %c0_i32 = arith.constant 0 : i32
    %c0_i32_0 = arith.constant 0 : i32
    return %arg0, %c0_i32 : i32, i32
  }
  func.func @transform_4(%arg0: i32) -> (i32, i32) {
    %c0_i32 = arith.constant 0 : i32
    %c0_i32_0 = arith.constant 0 : i32
    %c0_i32_1 = arith.constant 0 : i32
    return %c0_i32, %c0_i32_0 : i32, i32
  }
}

module attributes {stable_mosaic.version = 14 : i64} {
  func.func @_loss_kernel(%arg0: i32, %arg1: memref<1000x128xf32, #tpu.memory_space<vmem>>, %arg2: memref<1000x128xf32, #tpu.memory_space<vmem>>, %arg3: memref<1000x1xf32, #tpu.memory_space<vmem>>, %arg4: memref<2x128xf32, #tpu.memory_space<vmem>>, %arg5: memref<128x128xf32, #tpu.memory_space<vmem>>, %arg6: memref<1x1xf32, #tpu.memory_space<vmem>>) attributes {dimension_semantics = [#tpu.dimension_semantics<arbitrary>], iteration_bounds = array<i64: 10>, scalar_prefetch = 0 : i64, scratch_operands = 0 : i64, tpu.core_type = #tpu.core_type<tc>, window_params = [{transform_indices = @transform_0, window_bounds = array<i64: 1000, 128>}, {transform_indices = @transform_1, window_bounds = array<i64: 1000, 128>}, {transform_indices = @transform_2, window_bounds = array<i64: 1000, 1>}, {pipeline_mode = #tpu.pipeline_mode<synchronous>, transform_indices = @transform_3, window_bounds = array<i64: 2, 128>}, {pipeline_mode = #tpu.pipeline_mode<synchronous>, transform_indices = @transform_4, window_bounds = array<i64: 128, 128>}, {pipeline_mode = #tpu.pipeline_mode<synchronous>, transform_indices = @transform_5, window_bounds = array<i64: 1, 1>}]} {
    %get3A = arith.constant 0 : index
    %get3A_0 = arith.constant 0 : index
    %get3A_1 = vector.load %arg4[%get3A, %get3A_0] : memref<2x128xf32, #tpu.memory_space<vmem>>, vector<2x128xf32>
    %div3A = arith.constant 8.000000e+03 : f32
    %div3A_2 = vector.broadcast %div3A : f32 to vector<2x128xf32>
    %div3A_3 = arith.divf %get3A_1, %div3A_2 : vector<2x128xf32>
    %logistic3A = arith.negf %div3A_3 : vector<2x128xf32>
    %logistic3A_4 = math.exp %logistic3A : vector<2x128xf32>
    %logistic3A_5 = arith.constant 1.000000e+00 : f32
    %logistic3A_6 = vector.broadcast %logistic3A_5 : f32 to vector<2x128xf32>
    %logistic3A_7 = arith.addf %logistic3A_6, %logistic3A_4 : vector<2x128xf32>
    %logistic3A_8 = arith.divf %logistic3A_6, %logistic3A_7 : vector<2x128xf32>
    %get3A_9 = arith.constant 0 : index
    %get3A_10 = arith.constant 0 : index
    %get3A_11 = vector.load %arg3[%get3A_9, %get3A_10] : memref<1000x1xf32, #tpu.memory_space<vmem>>, vector<1000x1xf32>
    %max3A = arith.constant 1.000000e+00 : f32
    %max3A_12 = vector.broadcast %max3A : f32 to vector<1000x1xf32>
    %max3A_13 = arith.maximumf %get3A_11, %max3A_12 : vector<1000x1xf32>
    %div3A_14 = arith.constant 1.000000e+00 : f32
    %div3A_15 = vector.broadcast %div3A_14 : f32 to vector<1000x1xf32>
    %div3A_16 = arith.divf %div3A_15, %max3A_13 : vector<1000x1xf32>
    %get3A_17 = arith.constant 0 : index
    %get3A_18 = arith.constant 0 : index
    %get3A_19 = vector.load %arg1[%get3A_17, %get3A_18] : memref<1000x128xf32, #tpu.memory_space<vmem>>, vector<1000x128xf32>
    %max3A_20 = arith.constant 0.000000e+00 : f32
    %max3A_21 = vector.broadcast %max3A_20 : f32 to vector<1000x128xf32>
    %max3A_22 = arith.maximumf %get3A_19, %max3A_21 : vector<1000x128xf32>
    %mul3A = vector.broadcast %div3A_16 : vector<1000x1xf32> to vector<1000x128xf32>
    %mul3A_23 = arith.mulf %max3A_22, %mul3A : vector<1000x128xf32>
    %get3A_24 = arith.constant 0 : index
    %get3A_25 = arith.constant 0 : index
    %get3A_26 = vector.load %arg2[%get3A_24, %get3A_25] : memref<1000x128xf32, #tpu.memory_space<vmem>>, vector<1000x128xf32>
    %max3A_27 = arith.constant 0.000000e+00 : f32
    %max3A_28 = vector.broadcast %max3A_27 : f32 to vector<1000x128xf32>
    %max3A_29 = arith.maximumf %get3A_26, %max3A_28 : vector<1000x128xf32>
    %mul3A_30 = vector.broadcast %div3A_16 : vector<1000x1xf32> to vector<1000x128xf32>
    %mul3A_31 = arith.mulf %max3A_29, %mul3A_30 : vector<1000x128xf32>
    %get3A_32 = arith.constant 0 : index
    %get3A_33 = arith.constant 0 : index
    %get3A_34 = vector.load %arg5[%get3A_32, %get3A_33] : memref<128x128xf32, #tpu.memory_space<vmem>>, vector<128x128xf32>
    %dot_general3A = arith.constant dense<0.000000e+00> : vector<1000x128xf32>
    %dot_general3A_35 = tpu.matmul %mul3A_23, %get3A_34, %dot_general3A {dimension_numbers = #tpu.dot_dimension_numbers<[1], [0], [0], [1], [0, 0, 1, 1], [], []>, transpose_lhs_hint = false} : vector<1000x128xf32>, vector<128x128xf32>, vector<1000x128xf32> -> vector<1000x128xf32>
    %dot_general3A_36 = arith.constant dense<0.000000e+00> : vector<1000x2xf32>
    %dot_general3A_37 = tpu.matmul %dot_general3A_35, %logistic3A_8, %dot_general3A_36 {dimension_numbers = #tpu.dot_dimension_numbers<[1], [1], [0], [0], [0, 0, 1, 0], [], []>, transpose_lhs_hint = false} : vector<1000x128xf32>, vector<2x128xf32>, vector<1000x2xf32> -> vector<1000x2xf32>
    %get3A_38 = arith.constant 0 : index
    %get3A_39 = arith.constant 0 : index
    %get3A_40 = vector.load %arg5[%get3A_38, %get3A_39] : memref<128x128xf32, #tpu.memory_space<vmem>>, vector<128x128xf32>
    %dot_general3A_41 = arith.constant dense<0.000000e+00> : vector<1000x128xf32>
    %dot_general3A_42 = tpu.matmul %mul3A_31, %get3A_40, %dot_general3A_41 {dimension_numbers = #tpu.dot_dimension_numbers<[1], [0], [0], [1], [0, 0, 1, 1], [], []>, transpose_lhs_hint = false} : vector<1000x128xf32>, vector<128x128xf32>, vector<1000x128xf32> -> vector<1000x128xf32>
    %dot_general3A_43 = arith.constant dense<0.000000e+00> : vector<1000x2xf32>
    %dot_general3A_44 = tpu.matmul %dot_general3A_42, %logistic3A_8, %dot_general3A_43 {dimension_numbers = #tpu.dot_dimension_numbers<[1], [1], [0], [0], [0, 0, 1, 0], [], []>, transpose_lhs_hint = false} : vector<1000x128xf32>, vector<2x128xf32>, vector<1000x2xf32> -> vector<1000x2xf32>
    %custom_jvp_call3A = arith.constant 0.000000e+00 : f32
    %max3A_45 = vector.broadcast %custom_jvp_call3A : f32 to vector<1000x2xf32>
    %max3A_46 = arith.maximumf %dot_general3A_37, %max3A_45 : vector<1000x2xf32>
    %sub3A = vector.broadcast %custom_jvp_call3A : f32 to vector<1000x2xf32>
    %sub3A_47 = arith.subf %dot_general3A_37, %sub3A : vector<1000x2xf32>
    %ne3A = arith.cmpf one, %sub3A_47, %sub3A_47 : vector<1000x2xf32>
    %add3A = vector.broadcast %custom_jvp_call3A : f32 to vector<1000x2xf32>
    %add3A_48 = arith.addf %dot_general3A_37, %add3A : vector<1000x2xf32>
    %abs3A = math.absf %sub3A_47 : vector<1000x2xf32>
    %neg3A = arith.constant 0.000000e+00 : f32
    %neg3A_49 = vector.broadcast %neg3A : f32 to vector<1000x2xf32>
    %neg3A_50 = arith.subf %neg3A_49, %abs3A : vector<1000x2xf32>
    %exp3A = math.exp %neg3A_50 : vector<1000x2xf32>
    %log1p3A = math.log1p %exp3A : vector<1000x2xf32>
    %add3A_51 = arith.addf %max3A_46, %log1p3A : vector<1000x2xf32>
    %select_n3A = arith.select %ne3A, %add3A_48, %add3A_51 : vector<1000x2xi1>, vector<1000x2xf32>
    %sub3A_52 = arith.subf %select_n3A, %dot_general3A_37 : vector<1000x2xf32>
    %reduce_sum3A = vector.shape_cast %sub3A_52 : vector<1000x2xf32> to vector<1x1000x2xf32>
    %reduce_sum3A_53 = arith.constant dense<0.000000e+00> : vector<1xf32>
    %reduce_sum3A_54 = vector.multi_reduction <add>, %reduce_sum3A, %reduce_sum3A_53 [1, 2] : vector<1x1000x2xf32> to vector<1xf32>
    %reduce_sum3A_55 = vector.shape_cast %reduce_sum3A_54 : vector<1xf32> to vector<1x1x1xf32>
    %reduce_sum3A_56 = vector.extract %reduce_sum3A_55[0, 0, 0] : f32 from vector<1x1x1xf32>
    %custom_jvp_call3A_57 = arith.constant 0.000000e+00 : f32
    %max3A_58 = vector.broadcast %custom_jvp_call3A_57 : f32 to vector<1000x2xf32>
    %max3A_59 = arith.maximumf %dot_general3A_44, %max3A_58 : vector<1000x2xf32>
    %sub3A_60 = vector.broadcast %custom_jvp_call3A_57 : f32 to vector<1000x2xf32>
    %sub3A_61 = arith.subf %dot_general3A_44, %sub3A_60 : vector<1000x2xf32>
    %ne3A_62 = arith.cmpf one, %sub3A_61, %sub3A_61 : vector<1000x2xf32>
    %add3A_63 = vector.broadcast %custom_jvp_call3A_57 : f32 to vector<1000x2xf32>
    %add3A_64 = arith.addf %dot_general3A_44, %add3A_63 : vector<1000x2xf32>
    %abs3A_65 = math.absf %sub3A_61 : vector<1000x2xf32>
    %neg3A_66 = arith.constant 0.000000e+00 : f32
    %neg3A_67 = vector.broadcast %neg3A_66 : f32 to vector<1000x2xf32>
    %neg3A_68 = arith.subf %neg3A_67, %abs3A_65 : vector<1000x2xf32>
    %exp3A_69 = math.exp %neg3A_68 : vector<1000x2xf32>
    %log1p3A_70 = math.log1p %exp3A_69 : vector<1000x2xf32>
    %add3A_71 = arith.addf %max3A_59, %log1p3A_70 : vector<1000x2xf32>
    %select_n3A_72 = arith.select %ne3A_62, %add3A_64, %add3A_71 : vector<1000x2xi1>, vector<1000x2xf32>
    %reduce_sum3A_73 = vector.shape_cast %select_n3A_72 : vector<1000x2xf32> to vector<1x1000x2xf32>
    %reduce_sum3A_74 = arith.constant dense<0.000000e+00> : vector<1xf32>
    %reduce_sum3A_75 = vector.multi_reduction <add>, %reduce_sum3A_73, %reduce_sum3A_74 [1, 2] : vector<1x1000x2xf32> to vector<1xf32>
    %reduce_sum3A_76 = vector.shape_cast %reduce_sum3A_75 : vector<1xf32> to vector<1x1x1xf32>
    %reduce_sum3A_77 = vector.extract %reduce_sum3A_76[0, 0, 0] : f32 from vector<1x1x1xf32>
    %add3A_78 = arith.addf %reduce_sum3A_56, %reduce_sum3A_77 : f32
    %eq3A = arith.constant 0 : i32
    %eq3A_79 = arith.cmpi eq, %arg0, %eq3A : i32
    %convert_element_type3A = arith.extui %eq3A_79 : i1 to i32
    %cond3A = arith.constant 0 : i32
    %cond3A_80 = arith.cmpi ne, %convert_element_type3A, %cond3A : i32
    scf.if %cond3A_80 {
      %broadcast_in_dim3A = arith.constant 0.000000e+00 : f32
      %broadcast_in_dim3A_92 = vector.broadcast %broadcast_in_dim3A : f32 to vector<1x1xf32>
      %swap3A_93 = arith.constant 0 : index
      %swap3A_94 = arith.constant 0 : index
      %swap3A_95 = vector.load %arg6[%swap3A_93, %swap3A_94] : memref<1x1xf32, #tpu.memory_space<vmem>>, vector<1x1xf32>
      tpu.vector_store %arg6[%swap3A_93, %swap3A_94], %broadcast_in_dim3A_92 {strides = array<i32>} : memref<1x1xf32, #tpu.memory_space<vmem>>, vector<1x1xf32>,
    } else {
    }
    %get3A_81 = arith.constant 0 : index
    %get3A_82 = arith.constant 0 : index
    %get3A_83 = vector.load %arg6[%get3A_81, %get3A_82] : memref<1x1xf32, #tpu.memory_space<vmem>>, vector<1x1xf32>
    %reshape3A = vector.broadcast %add3A_78 : f32 to vector<1x1xf32>
    %add3A_84 = arith.addf %get3A_83, %reshape3A : vector<1x1xf32>
    %swap3A = arith.constant 0 : index
    %swap3A_85 = arith.constant 0 : index
    %swap3A_86 = vector.load %arg6[%swap3A, %swap3A_85] : memref<1x1xf32, #tpu.memory_space<vmem>>, vector<1x1xf32>
    tpu.vector_store %arg6[%swap3A, %swap3A_85], %add3A_84 {strides = array<i32>} : memref<1x1xf32, #tpu.memory_space<vmem>>, vector<1x1xf32>,
    %eq3A_87 = arith.constant 9 : i32
    %eq3A_88 = arith.cmpi eq, %arg0, %eq3A_87 : i32
    %convert_element_type3A_89 = arith.extui %eq3A_88 : i1 to i32
    %cond3A_90 = arith.constant 0 : i32
    %cond3A_91 = arith.cmpi ne, %convert_element_type3A_89, %cond3A_90 : i32
    scf.if %cond3A_91 {
      %get3A_92 = arith.constant 0 : index
      %get3A_93 = arith.constant 0 : index
      %get3A_94 = vector.load %arg6[%get3A_92, %get3A_93] : memref<1x1xf32, #tpu.memory_space<vmem>>, vector<1x1xf32>
      %div3A_95 = arith.constant 1.000000e+04 : f32
      %div3A_96 = vector.broadcast %div3A_95 : f32 to vector<1x1xf32>
      %div3A_97 = arith.divf %get3A_94, %div3A_96 : vector<1x1xf32>
      %swap3A_98 = arith.constant 0 : index
      %swap3A_99 = arith.constant 0 : index
      %swap3A_100 = vector.load %arg6[%swap3A_98, %swap3A_99] : memref<1x1xf32, #tpu.memory_space<vmem>>, vector<1x1xf32>
      tpu.vector_store %arg6[%swap3A_98, %swap3A_99], %div3A_97 {strides = array<i32>} : memref<1x1xf32, #tpu.memory_space<vmem>>, vector<1x1xf32>,
    } else {
    }
    return
  }
  func.func @transform_0(%arg0: i32) -> (i32, i32) {
    %c0_i32 = arith.constant 0 : i32
    %c0_i32_0 = arith.constant 0 : i32
    return %arg0, %c0_i32 : i32, i32
  }
  func.func @transform_1(%arg0: i32) -> (i32, i32) {
    %c0_i32 = arith.constant 0 : i32
    %c0_i32_0 = arith.constant 0 : i32
    return %arg0, %c0_i32 : i32, i32
  }
  func.func @transform_2(%arg0: i32) -> (i32, i32) {
    %c0_i32 = arith.constant 0 : i32
    %c0_i32_0 = arith.constant 0 : i32
    return %arg0, %c0_i32 : i32, i32
  }
  func.func @transform_3(%arg0: i32) -> (i32, i32) {
    %c0_i32 = arith.constant 0 : i32
    %c0_i32_0 = arith.constant 0 : i32
    %c0_i32_1 = arith.constant 0 : i32
    return %c0_i32, %c0_i32_0 : i32, i32
  }
  func.func @transform_4(%arg0: i32) -> (i32, i32) {
    %c0_i32 = arith.constant 0 : i32
    %c0_i32_0 = arith.constant 0 : i32
    %c0_i32_1 = arith.constant 0 : i32
    return %c0_i32, %c0_i32_0 : i32, i32
  }
  func.func @transform_5(%arg0: i32) -> (i32, i32) {
    %c0_i32 = arith.constant 0 : i32
    %c0_i32_0 = arith.constant 0 : i32
    %c0_i32_1 = arith.constant 0 : i32
    return %c0_i32, %c0_i32_0 : i32, i32
  }
}

</mosaic_0001>

<sc_bundles>
// kernel: kernel.6.cloned.1.call-start
scs
__scs_entry_jumppad:
0x0: {  	(pc) =	sbr.rel $0x88, $3  }
0x1: {  	(tag) =	ssettag $0x0;
	lr =	simm.s32 $0x1  }
0x2: {  	[smem:$0x3F98] =	sst lr;
	_ =	strace $0xD0000000  }
0x3: {  	_ = 	snop  }
0x4: {  	_ = 	snop  }
0x5: {  	_ = 	snop  }
0x6: {  	_ = 	snop  }
0x7: {  	_ = 	snop  }
__scs_overlays_trampoline_lowered:
0x8: {  	[smem:$0x3FA7] =	sst s0  }
0x9: {  	[smem:$0x3FA8] =	sst s1  }
0xa: {  	[smem:$0x3FA9] =	sst s2  }
0xb: {  	[smem:$0x3FAA] =	sst s3  }
0xc: {  	[smem:$0x3FAB] =	sst s4  }
0xd: {  	[smem:$0x3FAC] =	sst s5  }
0xe: {  	[smem:$0x3FAD] =	sst s6  }
0xf: {  	[smem:$0x3FAE] =	sst s7  }
0x10: {  	[smem:$0x3FAF] =	sst s8  }
0x11: {  	[smem:$0x3FB0] =	sst s9;
	s0 =	simm.s32 @!p0 $0x0  }
0x12: {  	s1 =	sld [smem:$0x3F96];
	s0 =	simm.s32 @p0 $0x1  }
0x13: {  	[smem:$0x3FB1] =	sst s0;
	s0 =	simm.s32 @!p1 $0x0  }
0x14: {  	s2 =	sld [smem:$0x3F95];
	s0 =	simm.s32 @p1 $0x1  }
0x15: {  	[smem:$0x3FB2] =	sst s0;
	s0 =	simm.s32 @!p2 $0x0  }
0x16: {  	s3 =	sld [smem:$0x3FDB];
	s0 =	simm.s32 @p2 $0x1  }
0x17: {  	s4 =	simm.s32 $0x1BF5;
	[smem:$0x3FB4] =	sst s0  }
0x18: {  	s0 =	sld [smem:$0x3F97];
	_ =	swait.ge [sflag:s4], $0x0  }
0x19: {  	s7 =	sld [smem:$0x3F98]  }
0x1a: {  	s8 =	sadd.s32 $0xFFFFE003, lr  }
0x1b: {  	s9 =	sadd.s32 $0xFFFFFEF7, lr;
	s5 =	simm.s32 $0xFFFFFFFF;
	p2 =	slt.u32 s8, $0xFFFFF086  }
0x1c: {  	p1 =	slt.u32 s9, $0xF7A;
	s5 =	simm.s32 @!p2 $0x0  }
0x1d: {  	s5 =	simm.s32 @p1 $0x1;
	p0 =	seq.s32 s7, s2  }
0x1e: {  	s7 =	smul.u32 @!p0 $0xF7A, s2;
	p2 =	seq.s32 @!p0 s5, $0x0  }
0x1f: {  	s9 =	smul.u32 $0xF7A, s1;
	s8 =	simm.s32 @!p0 $0x1BF5;
	p2 =	por !p2, p0  }
0x20: {  	[sflag:s8] =	ssyncset.s32 @!p0 $0xFFFFF086;
	s6 =	sadd.s32 @!p0 s3, s7;
	s7 =	simm.s32 @!p0 $0x108  }
0x21: {  	s3 =	sadd.s32 s3, s9;
	s6 =	sadd.s32 @!p0 $0x88, s6;
	s7 =	simm.s32 @p2 $0x1082  }
0x22: {  	[simem:s7], [sflag:s8] =	dma.local @!p0 [hbm:s6], $0xF7A  }
0x23: {  	s9 =	sor.u32 $0xD0000000, s2;
	s6 =	simm.s32 $0x108;
	_ =	swait.ge @!p0 [sflag:s8], $0x0  }
0x24: {  	s3 =	sadd.s32 $0x88, s3;
	s6 =	simm.s32 @!p1 $0x1082;
	[sflag:s4] =	ssyncset.s32 $0xFFFFF086  }
0x25: {  	[simem:s6], [sflag:s4] =	dma.local [hbm:s3], $0xF7A  }
0x26: {  	[smem:$0x3F98] =	sst s1;
	(tag) =	ssettag s2;
	_ =	strace s9  }
0x27: {  	s1 =	sld [smem:$0x3FA8]  }
0x28: {  	s2 =	sld [smem:$0x3FA9]  }
0x29: {  	s4 =	sld [smem:$0x3FAB]  }
0x2a: {  	p0 =	seq.s32 s5, $0x0;
	s5 =	sld [smem:$0x3FAC]  }
0x2b: {  	s6 =	sld [smem:$0x3FAD]  }
0x2c: {  	s7 =	sld [smem:$0x3FAE]  }
0x2d: {  	s3 =	simm.s32 $0x108;
	s8 =	sld [smem:$0x3FAF]  }
0x2e: {  	s3 =	simm.s32 @!p0 $0x1082;
	s9 =	sld [smem:$0x3FB0]  }
0x2f: {  	lr =	sadd.s32 s0, s3;
	s0 =	sld [smem:$0x3FA7]  }
0x30: {  	s3 =	sld [smem:$0x3FAA]  }
0x31: {  	[smem:$0x3FB3] =	sst s10  }
0x32: {  	s10 =	sld [smem:$0x3FB1];
	_ =	sdelay $0x3  }
0x33: {  	p0 =	seq.s32 s10, $0x1;
	s10 =	sld [smem:$0x3FB3];
	_ =	sdelay $0x3  }
0x34: {  	[smem:$0x3FB3] =	sst s10  }
0x35: {  	s10 =	sld [smem:$0x3FB2];
	_ =	sdelay $0x3  }
0x36: {  	p1 =	seq.s32 s10, $0x1;
	s10 =	sld [smem:$0x3FB3];
	_ =	sdelay $0x3  }
0x37: {  	[smem:$0x3FB3] =	sst s10  }
0x38: {  	s10 =	sld [smem:$0x3FB4]  }
0x39: {  	_ = 	snop;
	(pc) =	sbr.ind lr, $3  }
0x3a: {  	_ = 	snop  }
0x3b: {  	_ = 	snop  }
0x3c: {  	p2 =	seq.s32 s10, $0x1;
	s10 =	sld [smem:$0x3FB3]  }
0x3d: {  	_ =	shalt  }
0x3e: {  	_ =	shalt  }
0x3f: {  	_ =	shalt  }
0x40: {  	_ =	shalt  }
0x41: {  	_ =	shalt  }
0x42: {  	_ =	shalt  }
0x43: {  	_ =	shalt  }
0x44: {  	_ =	shalt  }
0x45: {  	_ =	shalt  }
0x46: {  	_ =	shalt  }
0x47: {  	_ =	shalt  }
0x48: {  	_ =	shalt  }
0x49: {  	_ =	shalt  }
0x4a: {  	_ =	shalt  }
0x4b: {  	_ =	shalt  }
0x4c: {  	_ =	shalt  }
0x4d: {  	_ =	shalt  }
0x4e: {  	_ =	shalt  }
0x4f: {  	_ =	shalt  }
0x50: {  	_ =	shalt  }
0x51: {  	_ =	shalt  }
0x52: {  	_ =	shalt  }
0x53: {  	_ =	shalt  }
0x54: {  	_ =	shalt  }
0x55: {  	_ =	shalt  }
0x56: {  	_ =	shalt  }
0x57: {  	_ =	shalt  }
0x58: {  	_ =	shalt  }
0x59: {  	_ =	shalt  }
0x5a: {  	_ =	shalt  }
0x5b: {  	_ =	shalt  }
0x5c: {  	_ =	shalt  }
0x5d: {  	_ =	shalt  }
0x5e: {  	_ =	shalt  }
0x5f: {  	_ =	shalt  }
0x60: {  	_ =	shalt  }
0x61: {  	_ =	shalt  }
0x62: {  	_ =	shalt  }
0x63: {  	_ =	shalt  }
0x64: {  	_ =	shalt  }
0x65: {  	_ =	shalt  }
0x66: {  	_ =	shalt  }
0x67: {  	_ =	shalt  }
0x68: {  	_ =	shalt  }
0x69: {  	_ =	shalt  }
0x6a: {  	_ =	shalt  }
0x6b: {  	_ =	shalt  }
0x6c: {  	_ =	shalt  }
0x6d: {  	_ =	shalt  }
0x6e: {  	_ =	shalt  }
0x6f: {  	_ =	shalt  }
0x70: {  	_ =	shalt  }
0x71: {  	_ =	shalt  }
0x72: {  	_ =	shalt  }
0x73: {  	_ =	shalt  }
0x74: {  	_ =	shalt  }
0x75: {  	_ =	shalt  }
0x76: {  	_ =	shalt  }
0x77: {  	_ =	shalt  }
0x78: {  	_ =	shalt  }
0x79: {  	_ =	shalt  }
0x7a: {  	_ =	shalt  }
0x7b: {  	_ =	shalt  }
0x7c: {  	_ =	shalt  }
0x7d: {  	_ =	shalt  }
0x7e: {  	_ =	shalt  }
0x7f: {  	_ =	shalt  }
0x80: {  	_ =	shalt  }
0x81: {  	_ =	shalt  }
0x82: {  	_ =	shalt  }
0x83: {  	_ =	shalt  }
0x84: {  	_ =	shalt  }
0x85: {  	_ =	shalt  }
0x86: {  	_ =	shalt  }
0x87: {  	_ =	shalt  }
.Lfunc_end0:
.L_simem_size_0:
called_computation_lowered:
.L_overlay_start_0:
0x88: {  	s2 =	sld [smem:$0x3FD9]  }
0x89: {  	s3 =	sld [smem:$0x3FFE];
	_ =	sdelay $0x1  }
0x8a: {  	s1 =	srdreg.scid  }
0x8b: {  	s0 =	sand.u32 $0x1, s1  }
0x8c: {  	s17 =	sshll.u32 s0, $0xA;
	s2 =	sadd.s32 s3, s2  }
0x8d: {  	s2 =	sadd.s32 s2, s17  }
0x8e: {  	[smem:$0x3FBF] =	sst s2  }
0x8f: {  	_ = 	snop  }
0x90: {  	s2 =	sld [smem:$0x3FC7]  }
0x91: {  	s18 =	sld [smem:$0x3FC6]  }
0x92: {  	s4 =	sld [smem:$0x3FC4];
	(tm) =	ssettm $0x1  }
0x93: {  	s5 =	sld [smem:$0x3FFB];
	_ =	sdelay $0x3  }
0x94: {  	_ =	strace s5  }
0x95: {  	s5 =	sld [smem:$0x3FFC];
	_ =	sdelay $0x3  }
0x96: {  	_ =	strace s5  }
0x97: {  	s5 =	sld [smem:$0x3FFD];
	_ =	sdelay $0x3  }
0x98: {  	_ =	strace s5  }
0x99: {  	_ =	strace $0x8FFFFFFF  }
0x9a: {  	s19 =	sld [smem:$0x3FDB];
	_ =	sdelay $0x1  }
0x9b: {  	s6 =	simm.s32 $_scs_section_size  }
0x9c: {  	s7 =	simm.s32 $_size__tile_overlayer_lowered;
	s8 =	simm.s32 $_tile_overlayer_lowered  }
0x9d: {  	s22 =	simm.s32 $0x1BFF;
	s21 =	sshll.u32 s8, $0x1;
	s5 =	sadd.s32 s6, s19  }
0x9e: {  	s9 =	simm.s32 $0x0;
	s20 =	sshll.u32 s7, $0x1;
	s7 =	sadd.s32 s21, s5  }
0x9f: {  	[timem:s9], [sflag:s22] =	dma.local [hbm:s7], s20  }
0xa0: {  	_ =	swait.ge [sflag:s22], s20  }
0xa1: {  	s6 =	ssub.s32 $0x0, s20;
	[sflag:s22] =	ssyncset.done $0x0  }
0xa2: {  	[sflag:s22] =	ssyncadd.s32 s6;
	_ =	sdelay $0x1  }
0xa3: {  	s23 =	simm.s32 $0x1B8B  }
0xa4: {  	_ =	swait.ge [sflag:s23], $0x1  }
0xa5: {  	[sflag:s23] =	ssyncset.done $0x0  }
0xa6: {  	s25 =	simm.s32 $0x1B8E;
	s24 =	sld [smem:$0x3FFE];
	[sflag:s23] =	ssyncadd.s32 $0xFFFFFFFF  }
0xa7: {  	s26 =	simm.s32 $execute0_lowered;
	[smem:$0x3FD2] =	sst s25  }
0xa8: {  	s7 =	sshll.u32 s26, $0x1;
	_ =	strace $0x80000046;
	[dreg:$0x1] =	wrdreg $0xFFFFFFFF  }
0xa9: {  	s28 =	simm.s32 $_size_execute0_lowered;
	s5 =	sadd.s32 s5, s7;
	[dreg:$0x0] =	wrdreg $0x0  }
0xaa: {  	s7 =	sshll.u32 s28, $0x1;
	[dreg:$0x2] =	wrdreg s5  }
0xab: {  	[dreg:$0x3] =	wrdreg s7  }
0xac: {  	[dreg:$0x4] =	wrdreg $0xC0  }
0xad: {  	_ =	task [dreg:s9], $0x5FFFF  }
0xae: {  	[dreg:$0x1] =	wrdreg $0xFFFFFFFF  }
0xaf: {  	[dreg:$0x0] =	wrdreg $0x60  }
0xb0: {  	[dreg:$0x2] =	wrdreg s24  }
0xb1: {  	[dreg:$0x3] =	wrdreg s2  }
0xb2: {  	[dreg:$0x4] =	wrdreg s18  }
0xb3: {  	[dreg:$0x5] =	wrdreg s4  }
0xb4: {  	[dreg:$0x6] =	wrdreg $0x0  }
0xb5: {  	[dreg:$0x7] =	wrdreg $0x140000  }
0xb6: {  	[dreg:$0x8] =	wrdreg $0x9  }
0xb7: {  	_ =	task.clear_ibuf [dreg:s9], $0x9FFFF;
	_ =	strace $0x90000046  }
0xb8: {  	s29 =	simm.s32 $0x9;
	_ =	strace $0x80000048  }
0xb9: {  	_ =	swait.ge [sflag:s29], $0x1  }
0xba: {  	[sflag:s29] =	ssyncadd.s32 $0xFFFFFFFF  }
0xbb: {  	_ =	strace $0x90000048  }
0xbc: {  	_ =	sfence  }
0xbd: {  	s30 =	sld [smem:$0x0];
	_ =	sdelay $0x2  }
0xbe: {  	s31 =	sshll.u32 s1, $0xD;
	s1 =	sshrl.u32 s1, $0x2  }
0xbf: {  	s3 =	sand.u32 $0x4000, s31;
	s1 =	sadd.s32 s1, s30  }
0xc0: {  	s0 =	sor.u32 s3, s0;
	s1 =	sshll.u32 s1, $0x11  }
0xc1: {  	s0 =	sor.u32 s1, s0  }
0xc2: {  	s0 =	sadd.s32 $0x8F2B, s0  }
0xc3: {  	[sflag:s0] =	ssyncadd.remote.s32 $0x1  }
0xc4: {  	_ =	sfence.sel $0xFFFF  }
0xc5: {  	[dreg:$0x0] =	wrdreg $0xFFFFFFFF;
	(pc) =	sbr.abs _section_cstart, $3  }
0xc6: {  	[dreg:$0x1] =	wrdreg $0xFFFFFFFF  }
0xc7: {  	_ =	task.clear_ibuf [dreg:s9], $0x2FFFF;
	_ =	strace $0x9FFFFFFF  }
0xc8: {  	(tm) =	ssettm $0x7FFFFFFF  }
0xc9: {  	_ =	shalt  }
tec
execute0_lowered:
.L_overlay_start_1:
0x0: {  	(tag) =	ssettag $0x1  }
0x1: {  	s0 =	rddreg [dreg:$0x0]  }
0x2: {  	s1 =	rddreg [dreg:$0x1]  }
0x3: {  	s3 =	rddreg [dreg:$0x2]  }
0x4: {  	s4 =	rddreg [dreg:$0x3]  }
0x5: {  	s5 =	rddreg [dreg:$0x4]  }
0x6: {  	s6 =	rddreg [dreg:$0x5];
	s2 =	stileid.u32  }
0x7: {  	s7 =	simm.s32 $0x0;
	s19 =	srdreg.scid;
	s9 =	smul.u32 $0x9C4, s2  }
0x8: {  	s28 =	simm.s32 $0x14400;
	s29 =	simm.s32 $0x16C00;
	s10 =	smul.u32 $0x640, s2  }
0x9: {  	s30 =	simm.s32 $0x14380;
	s31 =	simm.s32 $0x0;
	s11 =	smul.u32 $0x2800, s2  }
0xa: {  	[smem:$0x7FF] =	sst s7;
	s8 =	sadd.s32 $0x2F400, s0;
	s12 =	smul.u32 $0x280, s2  }
0xb: {  	s13 =	sadd.s32 $0x7F200, s0;
	s14 =	smul.u32 $0x50000, s2;
	s16 =	sadd.s32 $0x9F200, s0  }
0xc: {  	s17 =	sadd.s32 $0x7E600, s0;
	_ =	strace $0x80000047;
	[dreg:$0x7] =	wrdreg s13  }
0xd: {  	s25 =	sshll.u32 s2, $0x10;
	s13 =	sand.u32 $0x1, s19;
	[dreg:$0x9] =	wrdreg s16  }
0xe: {  	[dreg:$0xa] =	wrdreg s17;
	s19 =	sadd.s32 s25, s5;
	s9 =	sadd.s32 s9, s0  }
0xf: {  	s10 =	sadd.s32 s10, s0;
	s11 =	sadd.s32 s11, s0;
	s15 =	sshrl.u32 s12, $0x3  }
0x10: {  	s21 =	ssub.s32 $0x2, s13;
	s14 =	sshrl.u32 s14, $0x2;
	p0 =	sne.s32 s13, $0x0  }
0x11: {  	s16 =	sadd.s32 $0x4000, s19;
	s17 =	sadd.s32 $0x8000, s19;
	s18 =	sadd.s32 $0xC000, s19  }
0x12: {  	[dreg:$0x8] =	wrdreg s15;
	s20 =	sadd.s32 s15, s0;
	s22 =	sshrl.u32 s21, $0x1  }
0x13: {  	s0 =	sadd.s32 $0x7EC00, s0;
	s14 =	sadd.s32 s14, s5;
	[dreg:$0x14] =	wrdreg s16  }
0x14: {  	s15 =	sadd.s32 s12, s6;
	s24 =	sadd.s32 $0xBF200, s11;
	[dreg:$0x15] =	wrdreg s17  }
0x15: {  	s11 =	sadd.s32 $0x56600, s11;
	s25 =	sadd.s32 $0x2800, s10;
	[dreg:$0x16] =	wrdreg s18  }
0x16: {  	s16 =	simm.s32 $0x16C80;
	s17 =	simm.s32 $0x2;
	[dreg:$0xb] =	wrdreg s0  }
0x17: {  	s18 =	simm.s32 $0x14280;
	s23 =	ssub.s32 s21, s22;
	[dreg:$0xc] =	wrdreg s24  }
0x18: {  	[dreg:$0xd] =	wrdreg s11;
	s26 =	sadd.s32 $0xE7200, s20;
	s21 =	sadd.s32 $0x1B800, s9  }
0x19: {  	s22 =	sadd.s32 $0x25600, s9;
	s11 =	sadd.s32 $0x8000, s14;
	[dreg:$0xe] =	wrdreg s26  }
0x1a: {  	s24 =	sadd.s32 $0x15400, s10;
	s12 =	sadd.s32 $0xC000, s14;
	[dreg:$0x11] =	wrdreg s11  }
.Ltmp0:
0x1b: {  	s13 =	sadd.s32 $0x10000, s14;
	[dreg:$0x12] =	wrdreg s12;
	(pc) =	sbr.rel .LBB2_1-.Ltmp0, $4  }
0x1c: {  	s20 =	sshll.u32 s2, $0xD;
	s0 =	smax.u32 s23, $0x1;
	[dreg:$0x13] =	wrdreg s13  }
0x1d: {  	s23 =	sadd.s32 $0xF000, s10;
	s26 =	sadd.s32 $0x8C00, s10;
	[dreg:$0x17] =	wrdreg s20  }
0x1e: {  	s10 =	sadd.s32 $0x4000, s14;
	s20 =	simm.s32 $0x14300;
	[dreg:$0xf] =	wrdreg s0  }
0x1f: {  	v0 =	vimm.f32 $0.0e+00;
	v1 =	vimm.f32 $1.000000000e+00;
	s13 =	simm.s32 $0x1;
	[dreg:$0x10] =	wrdreg s10;
	s10 =	simm.s32 $0x50  }
.LBB2_16:
0x20: {  	s2 =	sadd.s32 s0, s24;
	[sflag:s17] =	ssyncadd.s32 $0xFFFFFFB0  }
0x21: {  	[tilespmem:s18], [sflag:$0x2] =	stream.linear.gather [hbm4b:s2+s7], $0x50, $0x38;
	[tilespmem:$0x1AF00] =	vst v63  }
0x22: {  	_ =	swait.ge [sflag:s17], $0x50  }
0x23: {  	[sflag:s17] =	ssyncset.done $0x0  }
0x24: {  	s12 =	sadd.s32 s0, s23;
	[sflag:s17] =	ssyncadd.s32 $0xFFFFFFB0  }
0x25: {  	[tilespmem:s20], [sflag:$0x2] =	stream.linear.gather [hbm4b:s12+s7], $0x50, $0x38;
	[tilespmem:$0x1AF00] =	vst v63  }
0x26: {  	_ =	swait.ge [sflag:s17], $0x50  }
0x27: {  	[sflag:s17] =	ssyncset.done $0x0  }
0x28: {  	[sflag:s17] =	ssyncadd.s32 $0xFFFFFFB0  }
0x29: {  	[tilespmem:s30], [sflag:$0x1] =	stream.indirect.gather [hbm4b:s4+s10], $0x1, s18, s10, $0xb8;
	[tilespmem:$0x1AF00] =	vst v63  }
0x2a: {  	_ =	swait.ge [sflag:s13], $0x50  }
0x2b: {  	[sflag:s13] =	ssyncset.done $0x0  }
0x2c: {  	[sflag:s13] =	ssyncadd.s32 $0xFFFFFFB0  }
0x2d: {  	[tilespmem:s28], [sflag:$0x1] =	stream.indirect.gather [hbm4b:s8+s10], $0x80, s30, s10, $0xb8;
	[tilespmem:$0x1AF00] =	vst v63  }
0x2e: {  	_ =	swait.ge [sflag:s13], $0x2800  }
0x2f: {  	[sflag:s13] =	ssyncset.done $0x0  }
0x30: {  	[sflag:s13] =	ssyncadd.s32 $0xFFFFD800  }
0x31: {  	[spmem:s5] =	stream.indirect.scatter.add.f32 [tilespmem:s28], [sflag:$0x2], $0x80, s20, s10, $0xb8;
	[tilespmem:$0x1AF00] =	vst v63  }
0x32: {  	_ =	swait.ge [sflag:s17], $0x2800  }
0x33: {  	[sflag:s17] =	ssyncset.done $0x0  }
0x34: {  	[sflag:s17] =	ssyncadd.s32 $0xFFFFD800  }
0x35: {  	[spmem:s6] =	stream.indirect.scatter.add.f32 [tilespmem:s29], [sflag:$0x2], $0x1, s20, s10, $0xb8;
	[tilespmem:$0x1AF00] =	vst v63  }
0x36: {  	_ =	swait.ge [sflag:s17], $0x50  }
0x37: {  	[sflag:s17] =	ssyncset.done $0x0;
	s9 =	rddreg [dreg:$0x9]  }
0x38: {  	s0 =	rddreg [dreg:$0xb];
	[sflag:s17] =	ssyncadd.s32 $0xFFFFFFB0  }
.LBB2_17:
0x39: {  	s2 =	rddreg [dreg:$0x17];
	s11 =	stileid.u32  }
0x3a: {  	s2 =	sadd.s32 s9, s2;
	s9 =	sshll.u32 s11, $0x6  }
0x3b: {  	[bflag:$0x0] =	sbarrier.arrive $0xFFFF;
	s11 =	sshrl.u32 s19, $0x3;
	s9 =	sor.u32 $0x1C02, s9  }
0x3c: {  	[hbm:s2], [sflag:s9] =	dma.local [spmem:s11], $0x2000  }
0x3d: {  	_ =	swait.ge [sflag:s17], $0x2000  }
0x3e: {  	[sflag:s17] =	ssyncset.done $0x0;
	s12 =	rddreg [dreg:$0x8]  }
0x3f: {  	s11 =	sshrl.u32 s15, $0x3;
	s0 =	sadd.s32 s0, s12;
	[sflag:s17] =	ssyncadd.s32 $0xFFFFE000  }
0x40: {  	[hbm:s0], [sflag:s9] =	dma.local [spmem:s11], $0x50  }
0x41: {  	_ =	swait.ge [sflag:s17], $0x50  }
0x42: {  	s31 =	sadd.s32 $0x1, s31;
	s12 =	rddreg [dreg:$0xf]  }
0x43: {  	p1 =	sne.s32 s31, s12  }
.Ltmp1:
0x44: {  	_ = 	snop;
	(pc) =	sbr.rel @!p1 .LBB2_18-.Ltmp1, $3  }
0x45: {  	_ =	sdelay $0x1  }
0x46: {  	[sflag:s17] =	ssyncset.done $0x0  }
0x47: {  	[sflag:s17] =	ssyncadd.s32 $0xFFFFFFB0  }
.LBB2_1:
0x48: {  	s0 =	simm.s32 $0x0;
	s9 =	simm.s32 $0x200  }
.LBB2_2:
0x49: {  	p1 =	sne.s32 s9, $0xFE00;
	[tilespmem:s0+$0x16CF0] =	vst v0  }
0x4a: {  	[tilespmem:s0+$0x16C80] =	vst v0  }
0x4b: {  	[tilespmem:s0+$0x16C90] =	vst v0  }
.Ltmp2:
0x4c: {  	[tilespmem:s0+$0x16CA0] =	vst v0;
	(pc) =	sbr.rel @p1 .LBB2_2-.Ltmp2, $4  }
0x4d: {  	[tilespmem:s0+$0x16CB0] =	vst v0  }
0x4e: {  	[tilespmem:s0+$0x16CC0] =	vst v0  }
0x4f: {  	[tilespmem:s0+$0x16CD0] =	vst v0  }
0x50: {  	[tilespmem:s0+$0x16CE0] =	vst v0;
	s0 =	sshra.s32 s9, $0x2;
	s9 =	sadd.s32 $0x200, s9  }
0x51: {  	[tilespmem:s0+$0x16CF0] =	vst v0  }
0x52: {  	[tilespmem:s0+$0x16C80] =	vst v0  }
0x53: {  	[tilespmem:s0+$0x16C90] =	vst v0  }
0x54: {  	[tilespmem:s0+$0x16CA0] =	vst v0  }
0x55: {  	[tilespmem:s0+$0x16CB0] =	vst v0  }
0x56: {  	[tilespmem:s0+$0x16CC0] =	vst v0  }
0x57: {  	[tilespmem:s0+$0x16CD0] =	vst v0  }
0x58: {  	[tilespmem:s0+$0x16CE0] =	vst v0  }
0x59: {  	[tilespmem:$0x1AC80] =	vst v0  }
0x5a: {  	[tilespmem:$0x1AC90] =	vst v0  }
0x5b: {  	[tilespmem:$0x1ACA0] =	vst v0  }
0x5c: {  	[tilespmem:$0x1ACB0] =	vst v0  }
0x5d: {  	[tilespmem:$0x1ACC0] =	vst v0  }
0x5e: {  	[tilespmem:$0x1ACD0] =	vst v0  }
0x5f: {  	[tilespmem:$0x1ACE0] =	vst v0  }
0x60: {  	[tilespmem:$0x1ACF0] =	vst v0  }
0x61: {  	[tilespmem:$0x1AD00] =	vst v0  }
0x62: {  	[tilespmem:$0x1AD10] =	vst v0  }
0x63: {  	[tilespmem:$0x1AD20] =	vst v0  }
0x64: {  	[tilespmem:$0x1AD30] =	vst v0  }
0x65: {  	[tilespmem:$0x1AD40] =	vst v0  }
0x66: {  	[tilespmem:$0x1AD50] =	vst v0  }
0x67: {  	[tilespmem:$0x1AD60] =	vst v0  }
0x68: {  	[tilespmem:$0x1AD70] =	vst v0  }
0x69: {  	[tilespmem:$0x1AD80] =	vst v0  }
0x6a: {  	[tilespmem:$0x1AD90] =	vst v0  }
0x6b: {  	[tilespmem:$0x1ADA0] =	vst v0  }
0x6c: {  	[tilespmem:$0x1ADB0] =	vst v0  }
0x6d: {  	[tilespmem:$0x1ADC0] =	vst v0  }
0x6e: {  	[tilespmem:$0x1ADD0] =	vst v0  }
0x6f: {  	[tilespmem:$0x1ADE0] =	vst v0  }
0x70: {  	[tilespmem:$0x1ADF0] =	vst v0  }
0x71: {  	[tilespmem:$0x1AE00] =	vst v0  }
0x72: {  	[tilespmem:$0x1AE10] =	vst v0  }
0x73: {  	[tilespmem:$0x1AE20] =	vst v0  }
0x74: {  	[tilespmem:$0x1AE30] =	vst v0  }
0x75: {  	[tilespmem:$0x1AE40] =	vst v0  }
0x76: {  	[tilespmem:$0x1AE50] =	vst v0  }
0x77: {  	[tilespmem:$0x1AE60] =	vst v0  }
0x78: {  	[tilespmem:$0x1AE70] =	vst v0  }
0x79: {  	[tilespmem:$0x1AE80] =	vst v0  }
0x7a: {  	[tilespmem:$0x1AE90] =	vst v0  }
0x7b: {  	[tilespmem:$0x1AEA0] =	vst v0  }
0x7c: {  	[tilespmem:$0x1AEB0] =	vst v0  }
0x7d: {  	[tilespmem:$0x1AEC0] =	vst v0  }
0x7e: {  	[tilespmem:$0x1AED0] =	vst v0  }
0x7f: {  	[tilespmem:$0x1AEE0] =	vst v0  }
0x80: {  	[tilespmem:$0x1AEF0] =	vst v0  }
0x81: {  	[tilespmem:$0x16C00] =	vst v1  }
0x82: {  	[tilespmem:$0x16C10] =	vst v1  }
0x83: {  	[tilespmem:$0x16C20] =	vst v1  }
0x84: {  	[tilespmem:$0x16C30] =	vst v1  }
0x85: {  	[tilespmem:$0x16C40] =	vst v1  }
0x86: {  	[spmem:s14] =	stream.linear.scatter [tilespmem:s16], [sflag:$0x2], $0x4000, $0x38;
	[tilespmem:$0x1AF00] =	vst v63  }
0x87: {  	_ =	swait.ge [sflag:s17], $0x4000  }
0x88: {  	[sflag:s17] =	ssyncset.done $0x0  }
0x89: {  	s12 =	rddreg [dreg:$0x10];
	[sflag:s17] =	ssyncadd.s32 $0xFFFFC000  }
0x8a: {  	[spmem:s12] =	stream.linear.scatter [tilespmem:s16], [sflag:$0x2], $0x4000, $0x38;
	[tilespmem:$0x1AF00] =	vst v63  }
0x8b: {  	_ =	swait.ge [sflag:s17], $0x4000  }
0x8c: {  	[sflag:s17] =	ssyncset.done $0x0  }
0x8d: {  	s2 =	rddreg [dreg:$0x11];
	[sflag:s17] =	ssyncadd.s32 $0xFFFFC000  }
0x8e: {  	[spmem:s2] =	stream.linear.scatter [tilespmem:s16], [sflag:$0x2], $0x4000, $0x38;
	[tilespmem:$0x1AF00] =	vst v63  }
0x8f: {  	_ =	swait.ge [sflag:s17], $0x4000  }
0x90: {  	[sflag:s17] =	ssyncset.done $0x0  }
0x91: {  	s9 =	rddreg [dreg:$0x12];
	[sflag:s17] =	ssyncadd.s32 $0xFFFFC000  }
0x92: {  	[spmem:s9] =	stream.linear.scatter [tilespmem:s16], [sflag:$0x2], $0x4000, $0x38;
	[tilespmem:$0x1AF00] =	vst v63  }
0x93: {  	_ =	swait.ge [sflag:s17], $0x4000  }
0x94: {  	[sflag:s17] =	ssyncset.done $0x0  }
0x95: {  	s11 =	rddreg [dreg:$0x13];
	[sflag:s17] =	ssyncadd.s32 $0xFFFFC000  }
0x96: {  	[spmem:s11] =	stream.linear.scatter [tilespmem:s16], [sflag:$0x2], $0x4000, $0x38;
	[tilespmem:$0x1AF00] =	vst v63  }
0x97: {  	_ =	swait.ge [sflag:s17], $0x4000  }
0x98: {  	[sflag:s17] =	ssyncset.done $0x0  }
0x99: {  	s12 =	simm.s32 $0x1AC80;
	[sflag:s17] =	ssyncadd.s32 $0xFFFFC000  }
0x9a: {  	[spmem:s15] =	stream.linear.scatter [tilespmem:s12], [sflag:$0x2], $0x280, $0x38;
	[tilespmem:$0x1AF00] =	vst v63  }
.Ltmp3:
0x9b: {  	_ =	swait.ge [sflag:s17], $0x280;
	(pc) =	sbr.rel @p0 .LBB2_7-.Ltmp3, $4  }
0x9c: {  	[sflag:s17] =	ssyncset.done $0x0  }
0x9d: {  	[sflag:s17] =	ssyncadd.s32 $0xFFFFFD80  }
0x9e: {  	[bflag:$0x0] =	sbarrier.arrive $0xFFFF  }
0x9f: {  	s0 =	sadd.s32 $0x0, s22  }
0xa0: {  	[tilespmem:s18], [sflag:$0x2] =	stream.linear.gather [hbm4b:s0+s7], $0x50, $0x38;
	[tilespmem:$0x1AF00] =	vst v63  }
0xa1: {  	_ =	swait.ge [sflag:s17], $0x50  }
0xa2: {  	[sflag:s17] =	ssyncset.done $0x0  }
0xa3: {  	s12 =	sadd.s32 $0x0, s21;
	[sflag:s17] =	ssyncadd.s32 $0xFFFFFFB0  }
0xa4: {  	[tilespmem:s20], [sflag:$0x2] =	stream.linear.gather [hbm4b:s12+s7], $0x50, $0x38;
	[tilespmem:$0x1AF00] =	vst v63  }
0xa5: {  	_ =	swait.ge [sflag:s17], $0x50  }
0xa6: {  	[sflag:s17] =	ssyncset.done $0x0  }
0xa7: {  	[sflag:s17] =	ssyncadd.s32 $0xFFFFFFB0  }
0xa8: {  	[tilespmem:s28], [sflag:$0x1] =	stream.indirect.gather [hbm4b:s8+s10], $0x80, s18, s10, $0xb8;
	[tilespmem:$0x1AF00] =	vst v63  }
0xa9: {  	_ =	swait.ge [sflag:s13], $0x2800  }
0xaa: {  	[sflag:s13] =	ssyncset.done $0x0  }
0xab: {  	[sflag:s13] =	ssyncadd.s32 $0xFFFFD800  }
0xac: {  	[spmem:s5] =	stream.indirect.scatter.add.f32 [tilespmem:s28], [sflag:$0x2], $0x80, s20, s10, $0xb8;
	[tilespmem:$0x1AF00] =	vst v63  }
0xad: {  	_ =	swait.ge [sflag:s17], $0x2800  }
0xae: {  	[sflag:s17] =	ssyncset.done $0x0  }
0xaf: {  	[sflag:s17] =	ssyncadd.s32 $0xFFFFD800  }
0xb0: {  	[spmem:s6] =	stream.indirect.scatter.add.f32 [tilespmem:s29], [sflag:$0x2], $0x1, s20, s10, $0xb8;
	[tilespmem:$0x1AF00] =	vst v63  }
0xb1: {  	_ =	swait.ge [sflag:s17], $0x50  }
0xb2: {  	s0 =	simm.s32 $0xA;
	s9 =	simm.s32 $0x14;
	[sflag:s17] =	ssyncset.done $0x0  }
.LBB2_5:
0xb3: {  	s11 =	sadd.s32 s0, s22  }
0xb4: {  	[sflag:s17] =	ssyncadd.s32 $0xFFFFFFB0;
	s12 =	smov.u32 s9;
	s2 =	sadd.s32 $0xA, s9  }
0xb5: {  	[tilespmem:s18], [sflag:$0x2] =	stream.linear.gather [hbm4b:s11+s7], $0x50, $0x38;
	[tilespmem:$0x1AF00] =	vst v63  }
0xb6: {  	p1 =	sne.s32 s9, $0x9BA;
	_ =	swait.ge [sflag:s17], $0x50  }
0xb7: {  	[sflag:s17] =	ssyncset.done $0x0  }
0xb8: {  	s9 =	sadd.s32 s0, s21;
	s0 =	smov.u32 s12;
	[sflag:s17] =	ssyncadd.s32 $0xFFFFFFB0  }
0xb9: {  	[tilespmem:s20], [sflag:$0x2] =	stream.linear.gather [hbm4b:s9+s7], $0x50, $0x38;
	[tilespmem:$0x1AF00] =	vst v63  }
0xba: {  	_ =	swait.ge [sflag:s17], $0x50  }
0xbb: {  	[sflag:s17] =	ssyncset.done $0x0  }
0xbc: {  	[sflag:s17] =	ssyncadd.s32 $0xFFFFFFB0  }
0xbd: {  	[tilespmem:s28], [sflag:$0x1] =	stream.indirect.gather [hbm4b:s8+s10], $0x80, s18, s10, $0xb8;
	[tilespmem:$0x1AF00] =	vst v63  }
0xbe: {  	_ =	swait.ge [sflag:s13], $0x2800  }
0xbf: {  	[sflag:s13] =	ssyncset.done $0x0  }
0xc0: {  	[sflag:s13] =	ssyncadd.s32 $0xFFFFD800  }
0xc1: {  	[spmem:s5] =	stream.indirect.scatter.add.f32 [tilespmem:s28], [sflag:$0x2], $0x80, s20, s10, $0xb8;
	[tilespmem:$0x1AF00] =	vst v63  }
0xc2: {  	_ =	swait.ge [sflag:s17], $0x2800  }
.Ltmp4:
0xc3: {  	[sflag:s17] =	ssyncset.done $0x0;
	(pc) =	sbr.rel @p1 .LBB2_5-.Ltmp4, $4  }
0xc4: {  	[sflag:s17] =	ssyncadd.s32 $0xFFFFD800  }
0xc5: {  	[spmem:s6] =	stream.indirect.scatter.add.f32 [tilespmem:s29], [sflag:$0x2], $0x1, s20, s10, $0xb8;
	[tilespmem:$0x1AF00] =	vst v63  }
0xc6: {  	_ =	swait.ge [sflag:s17], $0x50  }
0xc7: {  	s9 =	smov.u32 s2;
	[sflag:s17] =	ssyncset.done $0x0  }
0xc8: {  	s2 =	sadd.s32 s0, s22;
	[sflag:s17] =	ssyncadd.s32 $0xFFFFFFB0  }
0xc9: {  	[tilespmem:s18], [sflag:$0x2] =	stream.linear.gather [hbm4b:s2+s7], $0x50, $0x38;
	[tilespmem:$0x1AF00] =	vst v63  }
0xca: {  	_ =	swait.ge [sflag:s17], $0x50  }
0xcb: {  	[sflag:s17] =	ssyncset.done $0x0  }
0xcc: {  	s9 =	sadd.s32 s0, s21;
	[sflag:s17] =	ssyncadd.s32 $0xFFFFFFB0  }
0xcd: {  	[tilespmem:s20], [sflag:$0x2] =	stream.linear.gather [hbm4b:s9+s7], $0x50, $0x38;
	[tilespmem:$0x1AF00] =	vst v63  }
0xce: {  	_ =	swait.ge [sflag:s17], $0x50  }
0xcf: {  	[sflag:s17] =	ssyncset.done $0x0  }
0xd0: {  	[sflag:s17] =	ssyncadd.s32 $0xFFFFFFB0  }
0xd1: {  	[tilespmem:s28], [sflag:$0x1] =	stream.indirect.gather [hbm4b:s8+s10], $0x80, s18, s10, $0xb8;
	[tilespmem:$0x1AF00] =	vst v63  }
0xd2: {  	_ =	swait.ge [sflag:s13], $0x2800  }
0xd3: {  	[sflag:s13] =	ssyncset.done $0x0  }
0xd4: {  	[sflag:s13] =	ssyncadd.s32 $0xFFFFD800  }
0xd5: {  	[spmem:s5] =	stream.indirect.scatter.add.f32 [tilespmem:s28], [sflag:$0x2], $0x80, s20, s10, $0xb8;
	[tilespmem:$0x1AF00] =	vst v63  }
0xd6: {  	_ =	swait.ge [sflag:s17], $0x2800  }
0xd7: {  	[sflag:s17] =	ssyncset.done $0x0  }
0xd8: {  	[sflag:s17] =	ssyncadd.s32 $0xFFFFD800  }
0xd9: {  	[spmem:s6] =	stream.indirect.scatter.add.f32 [tilespmem:s29], [sflag:$0x2], $0x1, s20, s10, $0xb8;
	[tilespmem:$0x1AF00] =	vst v63  }
0xda: {  	_ =	swait.ge [sflag:s17], $0x50  }
0xdb: {  	[sflag:s17] =	ssyncset.done $0x0  }
0xdc: {  	s11 =	stileid.u32;
	[sflag:s17] =	ssyncadd.s32 $0xFFFFFFB0  }
0xdd: {  	s0 =	sshll.u32 s11, $0x6;
	[bflag:$0x0] =	sbarrier.arrive $0xFFFF  }
0xde: {  	s12 =	sshrl.u32 s14, $0x3;
	s0 =	sor.u32 $0x1C02, s0;
	s9 =	rddreg [dreg:$0xd]  }
0xdf: {  	[hbm:s9], [sflag:s0] =	dma.local [spmem:s12], $0x2800  }
0xe0: {  	_ =	swait.ge [sflag:s17], $0x2800  }
0xe1: {  	s11 =	sshrl.u32 s15, $0x3;
	[sflag:s17] =	ssyncset.done $0x0  }
.Ltmp5:
0xe2: {  	s12 =	rddreg [dreg:$0xe];
	[sflag:s17] =	ssyncadd.s32 $0xFFFFD800;
	(pc) =	sbr.rel .LBB2_10-.Ltmp5, $4  }
0xe3: {  	[hbm:s12], [sflag:s0] =	dma.local [spmem:s11], $0x50  }
0xe4: {  	_ =	swait.ge [sflag:s17], $0x50  }
0xe5: {  	[sflag:s17] =	ssyncset.done $0x0  }
0xe6: {  	[sflag:s17] =	ssyncadd.s32 $0xFFFFFFB0  }
.LBB2_7:
0xe7: {  	[tilespmem:s18], [sflag:$0x2] =	stream.linear.gather [hbm4b:s0+s7], $0x50, $0x38;
	[tilespmem:$0x1AF00] =	vst v63  }
0xe8: {  	_ =	swait.ge [sflag:s17], $0x50  }
0xe9: {  	[sflag:s17] =	ssyncset.done $0x0  }
0xea: {  	s12 =	sadd.s32 $0x0, s21;
	[sflag:s17] =	ssyncadd.s32 $0xFFFFFFB0  }
0xeb: {  	[tilespmem:s20], [sflag:$0x2] =	stream.linear.gather [hbm4b:s12+s7], $0x50, $0x38;
	[tilespmem:$0x1AF00] =	vst v63  }
0xec: {  	_ =	swait.ge [sflag:s17], $0x50  }
0xed: {  	[sflag:s17] =	ssyncset.done $0x0  }
0xee: {  	[sflag:s17] =	ssyncadd.s32 $0xFFFFFFB0  }
0xef: {  	[tilespmem:s30], [sflag:$0x1] =	stream.indirect.gather [hbm4b:s1+s10], $0x1, s18, s10, $0xb8;
	[tilespmem:$0x1AF00] =	vst v63  }
0xf0: {  	_ =	swait.ge [sflag:s13], $0x50  }
0xf1: {  	[sflag:s13] =	ssyncset.done $0x0  }
0xf2: {  	[sflag:s13] =	ssyncadd.s32 $0xFFFFFFB0  }
0xf3: {  	[tilespmem:s28], [sflag:$0x1] =	stream.indirect.gather [hbm4b:s8+s10], $0x80, s30, s10, $0xb8;
	[tilespmem:$0x1AF00] =	vst v63  }
0xf4: {  	_ =	swait.ge [sflag:s13], $0x2800  }
0xf5: {  	[sflag:s13] =	ssyncset.done $0x0  }
0xf6: {  	[sflag:s13] =	ssyncadd.s32 $0xFFFFD800  }
0xf7: {  	[spmem:s5] =	stream.indirect.scatter.add.f32 [tilespmem:s28], [sflag:$0x2], $0x80, s20, s10, $0xb8;
	[tilespmem:$0x1AF00] =	vst v63  }
0xf8: {  	_ =	swait.ge [sflag:s17], $0x2800  }
0xf9: {  	s0 =	simm.s32 $0xA;
	s9 =	simm.s32 $0x14;
	[sflag:s17] =	ssyncset.done $0x0  }
.LBB2_8:
0xfa: {  	s2 =	sadd.s32 s0, s22  }
0xfb: {  	[sflag:s17] =	ssyncadd.s32 $0xFFFFD800;
	s11 =	smov.u32 s9;
	s12 =	sadd.s32 $0xA, s9  }
0xfc: {  	[tilespmem:s18], [sflag:$0x2] =	stream.linear.gather [hbm4b:s2+s7], $0x50, $0x38;
	[tilespmem:$0x1AF00] =	vst v63  }
0xfd: {  	p1 =	sne.s32 s9, $0x9BA;
	_ =	swait.ge [sflag:s17], $0x50  }
0xfe: {  	[sflag:s17] =	ssyncset.done $0x0  }
0xff: {  	s2 =	sadd.s32 s0, s21;
	s0 =	smov.u32 s11;
	[sflag:s17] =	ssyncadd.s32 $0xFFFFFFB0  }
0x100: {  	[tilespmem:s20], [sflag:$0x2] =	stream.linear.gather [hbm4b:s2+s7], $0x50, $0x38;
	[tilespmem:$0x1AF00] =	vst v63  }
0x101: {  	_ =	swait.ge [sflag:s17], $0x50  }
0x102: {  	[sflag:s17] =	ssyncset.done $0x0  }
0x103: {  	[sflag:s17] =	ssyncadd.s32 $0xFFFFFFB0  }
0x104: {  	[tilespmem:s30], [sflag:$0x1] =	stream.indirect.gather [hbm4b:s1+s10], $0x1, s18, s10, $0xb8;
	[tilespmem:$0x1AF00] =	vst v63  }
0x105: {  	_ =	swait.ge [sflag:s13], $0x50  }
0x106: {  	[sflag:s13] =	ssyncset.done $0x0  }
0x107: {  	[sflag:s13] =	ssyncadd.s32 $0xFFFFFFB0  }
0x108: {  	[tilespmem:s28], [sflag:$0x1] =	stream.indirect.gather [hbm4b:s8+s10], $0x80, s30, s10, $0xb8;
	[tilespmem:$0x1AF00] =	vst v63  }
0x109: {  	_ =	swait.ge [sflag:s13], $0x2800  }
.Ltmp6:
0x10a: {  	[sflag:s13] =	ssyncset.done $0x0;
	(pc) =	sbr.rel @p1 .LBB2_8-.Ltmp6, $4  }
0x10b: {  	[sflag:s13] =	ssyncadd.s32 $0xFFFFD800  }
0x10c: {  	[spmem:s5] =	stream.indirect.scatter.add.f32 [tilespmem:s28], [sflag:$0x2], $0x80, s20, s10, $0xb8;
	[tilespmem:$0x1AF00] =	vst v63  }
0x10d: {  	_ =	swait.ge [sflag:s17], $0x2800  }
0x10e: {  	s9 =	smov.u32 s12;
	[sflag:s17] =	ssyncset.done $0x0  }
0x10f: {  	s2 =	sadd.s32 s0, s22;
	[sflag:s17] =	ssyncadd.s32 $0xFFFFD800  }
0x110: {  	[tilespmem:s18], [sflag:$0x2] =	stream.linear.gather [hbm4b:s2+s7], $0x50, $0x38;
	[tilespmem:$0x1AF00] =	vst v63  }
0x111: {  	_ =	swait.ge [sflag:s17], $0x50  }
0x112: {  	[sflag:s17] =	ssyncset.done $0x0  }
0x113: {  	s9 =	sadd.s32 s0, s21;
	[sflag:s17] =	ssyncadd.s32 $0xFFFFFFB0  }
0x114: {  	[tilespmem:s20], [sflag:$0x2] =	stream.linear.gather [hbm4b:s9+s7], $0x50, $0x38;
	[tilespmem:$0x1AF00] =	vst v63  }
0x115: {  	_ =	swait.ge [sflag:s17], $0x50  }
0x116: {  	[sflag:s17] =	ssyncset.done $0x0  }
0x117: {  	[sflag:s17] =	ssyncadd.s32 $0xFFFFFFB0  }
0x118: {  	[tilespmem:s30], [sflag:$0x1] =	stream.indirect.gather [hbm4b:s1+s10], $0x1, s18, s10, $0xb8;
	[tilespmem:$0x1AF00] =	vst v63  }
0x119: {  	_ =	swait.ge [sflag:s13], $0x50  }
0x11a: {  	[sflag:s13] =	ssyncset.done $0x0  }
0x11b: {  	[sflag:s13] =	ssyncadd.s32 $0xFFFFFFB0  }
0x11c: {  	[tilespmem:s28], [sflag:$0x1] =	stream.indirect.gather [hbm4b:s8+s10], $0x80, s30, s10, $0xb8;
	[tilespmem:$0x1AF00] =	vst v63  }
0x11d: {  	_ =	swait.ge [sflag:s13], $0x2800  }
0x11e: {  	[sflag:s13] =	ssyncset.done $0x0  }
0x11f: {  	[sflag:s13] =	ssyncadd.s32 $0xFFFFD800  }
0x120: {  	[spmem:s5] =	stream.indirect.scatter.add.f32 [tilespmem:s28], [sflag:$0x2], $0x80, s20, s10, $0xb8;
	[tilespmem:$0x1AF00] =	vst v63  }
0x121: {  	_ =	swait.ge [sflag:s17], $0x2800  }
0x122: {  	[sflag:s17] =	ssyncset.done $0x0  }
0x123: {  	s11 =	stileid.u32;
	[sflag:s17] =	ssyncadd.s32 $0xFFFFD800  }
0x124: {  	s0 =	sshll.u32 s11, $0x6;
	[bflag:$0x0] =	sbarrier.arrive $0xFFFF  }
0x125: {  	s12 =	sshrl.u32 s14, $0x3;
	s0 =	sor.u32 $0x1C02, s0;
	s9 =	rddreg [dreg:$0xc]  }
0x126: {  	[hbm:s9], [sflag:s0] =	dma.local [spmem:s12], $0x2800  }
0x127: {  	_ =	swait.ge [sflag:s17], $0x2800  }
0x128: {  	[sflag:s17] =	ssyncset.done $0x0  }
0x129: {  	[sflag:s17] =	ssyncadd.s32 $0xFFFFD800  }
.LBB2_10:
0x12a: {  	[bflag:$0x0] =	sbarrier.arrive $0xFFFF  }
0x12b: {  	[spmem:s19] =	stream.linear.scatter [tilespmem:s16], [sflag:$0x2], $0x4000, $0x38;
	[tilespmem:$0x1AF00] =	vst v63  }
0x12c: {  	_ =	swait.ge [sflag:s17], $0x4000  }
0x12d: {  	[sflag:s17] =	ssyncset.done $0x0  }
0x12e: {  	s0 =	rddreg [dreg:$0x14];
	[sflag:s17] =	ssyncadd.s32 $0xFFFFC000  }
0x12f: {  	[spmem:s0] =	stream.linear.scatter [tilespmem:s16], [sflag:$0x2], $0x4000, $0x38;
	[tilespmem:$0x1AF00] =	vst v63  }
0x130: {  	_ =	swait.ge [sflag:s17], $0x4000  }
0x131: {  	[sflag:s17] =	ssyncset.done $0x0  }
0x132: {  	s9 =	rddreg [dreg:$0x15];
	[sflag:s17] =	ssyncadd.s32 $0xFFFFC000  }
0x133: {  	[spmem:s9] =	stream.linear.scatter [tilespmem:s16], [sflag:$0x2], $0x4000, $0x38;
	[tilespmem:$0x1AF00] =	vst v63  }
0x134: {  	_ =	swait.ge [sflag:s17], $0x4000  }
0x135: {  	[sflag:s17] =	ssyncset.done $0x0  }
0x136: {  	s11 =	rddreg [dreg:$0x16];
	[sflag:s17] =	ssyncadd.s32 $0xFFFFC000  }
0x137: {  	[spmem:s11] =	stream.linear.scatter [tilespmem:s16], [sflag:$0x2], $0x4000, $0x38;
	[tilespmem:$0x1AF00] =	vst v63  }
0x138: {  	_ =	swait.ge [sflag:s17], $0x4000  }
0x139: {  	[sflag:s17] =	ssyncset.done $0x0  }
0x13a: {  	s12 =	simm.s32 $0x1AC80;
	[sflag:s17] =	ssyncadd.s32 $0xFFFFC000  }
0x13b: {  	[spmem:s15] =	stream.linear.scatter [tilespmem:s12], [sflag:$0x2], $0x280, $0x38;
	[tilespmem:$0x1AF00] =	vst v63  }
.Ltmp7:
0x13c: {  	_ =	swait.ge [sflag:s17], $0x280;
	(pc) =	sbr.rel @p0 .LBB2_14-.Ltmp7, $3  }
0x13d: {  	[sflag:s17] =	ssyncset.done $0x0  }
0x13e: {  	[sflag:s17] =	ssyncadd.s32 $0xFFFFFD80  }
0x13f: {  	[bflag:$0x0] =	sbarrier.arrive $0xFFFF;
	_ =	sdelay $0x1  }
0x140: {  	s0 =	sadd.s32 $0x0, s26  }
0x141: {  	[tilespmem:s18], [sflag:$0x2] =	stream.linear.gather [hbm4b:s0+s7], $0x50, $0x38;
	[tilespmem:$0x1AF00] =	vst v63  }
0x142: {  	_ =	swait.ge [sflag:s17], $0x50  }
0x143: {  	[sflag:s17] =	ssyncset.done $0x0  }
0x144: {  	s12 =	sadd.s32 $0x0, s25;
	[sflag:s17] =	ssyncadd.s32 $0xFFFFFFB0  }
0x145: {  	[tilespmem:s20], [sflag:$0x2] =	stream.linear.gather [hbm4b:s12+s7], $0x50, $0x38;
	[tilespmem:$0x1AF00] =	vst v63  }
0x146: {  	_ =	swait.ge [sflag:s17], $0x50  }
0x147: {  	[sflag:s17] =	ssyncset.done $0x0  }
0x148: {  	[sflag:s17] =	ssyncadd.s32 $0xFFFFFFB0  }
0x149: {  	[tilespmem:s30], [sflag:$0x1] =	stream.indirect.gather [hbm4b:s3+s10], $0x1, s18, s10, $0xb8;
	[tilespmem:$0x1AF00] =	vst v63  }
0x14a: {  	_ =	swait.ge [sflag:s13], $0x50  }
0x14b: {  	[sflag:s13] =	ssyncset.done $0x0  }
0x14c: {  	[sflag:s13] =	ssyncadd.s32 $0xFFFFFFB0  }
0x14d: {  	[tilespmem:s28], [sflag:$0x1] =	stream.indirect.gather [hbm4b:s8+s10], $0x80, s30, s10, $0xb8;
	[tilespmem:$0x1AF00] =	vst v63  }
0x14e: {  	_ =	swait.ge [sflag:s13], $0x2800  }
0x14f: {  	[sflag:s13] =	ssyncset.done $0x0  }
0x150: {  	[sflag:s13] =	ssyncadd.s32 $0xFFFFD800  }
0x151: {  	[spmem:s5] =	stream.indirect.scatter.add.f32 [tilespmem:s28], [sflag:$0x2], $0x80, s20, s10, $0xb8;
	[tilespmem:$0x1AF00] =	vst v63  }
0x152: {  	_ =	swait.ge [sflag:s17], $0x2800  }
0x153: {  	[sflag:s17] =	ssyncset.done $0x0  }
0x154: {  	[sflag:s17] =	ssyncadd.s32 $0xFFFFD800  }
0x155: {  	[spmem:s6] =	stream.indirect.scatter.add.f32 [tilespmem:s29], [sflag:$0x2], $0x1, s20, s10, $0xb8;
	[tilespmem:$0x1AF00] =	vst v63  }
0x156: {  	_ =	swait.ge [sflag:s17], $0x50  }
0x157: {  	s9 =	simm.s32 $0x14;
	s0 =	simm.s32 $0xA;
	[sflag:s17] =	ssyncset.done $0x0  }
.LBB2_12:
0x158: {  	s2 =	sadd.s32 s0, s26  }
0x159: {  	[sflag:s17] =	ssyncadd.s32 $0xFFFFFFB0;
	s11 =	smov.u32 s9;
	s12 =	sadd.s32 $0xA, s9  }
0x15a: {  	[tilespmem:s18], [sflag:$0x2] =	stream.linear.gather [hbm4b:s2+s7], $0x50, $0x38;
	[tilespmem:$0x1AF00] =	vst v63  }
0x15b: {  	p1 =	seq.s32 s9, $0x636;
	_ =	swait.ge [sflag:s17], $0x50  }
0x15c: {  	[sflag:s17] =	ssyncset.done $0x0  }
0x15d: {  	s2 =	sadd.s32 s0, s25;
	s0 =	smov.u32 s11;
	[sflag:s17] =	ssyncadd.s32 $0xFFFFFFB0  }
0x15e: {  	[tilespmem:s20], [sflag:$0x2] =	stream.linear.gather [hbm4b:s2+s7], $0x50, $0x38;
	[tilespmem:$0x1AF00] =	vst v63  }
0x15f: {  	_ =	swait.ge [sflag:s17], $0x50  }
0x160: {  	[sflag:s17] =	ssyncset.done $0x0  }
0x161: {  	[sflag:s17] =	ssyncadd.s32 $0xFFFFFFB0  }
0x162: {  	[tilespmem:s30], [sflag:$0x1] =	stream.indirect.gather [hbm4b:s3+s10], $0x1, s18, s10, $0xb8;
	[tilespmem:$0x1AF00] =	vst v63  }
0x163: {  	_ =	swait.ge [sflag:s13], $0x50  }
0x164: {  	[sflag:s13] =	ssyncset.done $0x0  }
0x165: {  	[sflag:s13] =	ssyncadd.s32 $0xFFFFFFB0  }
0x166: {  	[tilespmem:s28], [sflag:$0x1] =	stream.indirect.gather [hbm4b:s8+s10], $0x80, s30, s10, $0xb8;
	[tilespmem:$0x1AF00] =	vst v63  }
0x167: {  	_ =	swait.ge [sflag:s13], $0x2800  }
0x168: {  	[sflag:s13] =	ssyncset.done $0x0  }
0x169: {  	[sflag:s13] =	ssyncadd.s32 $0xFFFFD800  }
0x16a: {  	[spmem:s5] =	stream.indirect.scatter.add.f32 [tilespmem:s28], [sflag:$0x2], $0x80, s20, s10, $0xb8;
	[tilespmem:$0x1AF00] =	vst v63  }
0x16b: {  	_ =	swait.ge [sflag:s17], $0x2800  }
.Ltmp8:
0x16c: {  	[sflag:s17] =	ssyncset.done $0x0;
	(pc) =	sbr.rel @!p1 .LBB2_12-.Ltmp8, $4  }
0x16d: {  	[sflag:s17] =	ssyncadd.s32 $0xFFFFD800  }
0x16e: {  	[spmem:s6] =	stream.indirect.scatter.add.f32 [tilespmem:s29], [sflag:$0x2], $0x1, s20, s10, $0xb8;
	[tilespmem:$0x1AF00] =	vst v63  }
0x16f: {  	_ =	swait.ge [sflag:s17], $0x50  }
0x170: {  	s9 =	smov.u32 s12;
	[sflag:s17] =	ssyncset.done $0x0  }
0x171: {  	s2 =	sadd.s32 s0, s26;
	[sflag:s17] =	ssyncadd.s32 $0xFFFFFFB0  }
0x172: {  	[tilespmem:s18], [sflag:$0x2] =	stream.linear.gather [hbm4b:s2+s7], $0x50, $0x38;
	[tilespmem:$0x1AF00] =	vst v63  }
0x173: {  	_ =	swait.ge [sflag:s17], $0x50  }
0x174: {  	[sflag:s17] =	ssyncset.done $0x0  }
0x175: {  	s12 =	sadd.s32 s0, s25;
	[sflag:s17] =	ssyncadd.s32 $0xFFFFFFB0  }
0x176: {  	[tilespmem:s20], [sflag:$0x2] =	stream.linear.gather [hbm4b:s12+s7], $0x50, $0x38;
	[tilespmem:$0x1AF00] =	vst v63  }
0x177: {  	_ =	swait.ge [sflag:s17], $0x50  }
0x178: {  	[sflag:s17] =	ssyncset.done $0x0  }
0x179: {  	[sflag:s17] =	ssyncadd.s32 $0xFFFFFFB0  }
0x17a: {  	[tilespmem:s30], [sflag:$0x1] =	stream.indirect.gather [hbm4b:s3+s10], $0x1, s18, s10, $0xb8;
	[tilespmem:$0x1AF00] =	vst v63  }
0x17b: {  	_ =	swait.ge [sflag:s13], $0x50  }
0x17c: {  	[sflag:s13] =	ssyncset.done $0x0  }
0x17d: {  	[sflag:s13] =	ssyncadd.s32 $0xFFFFFFB0  }
0x17e: {  	[tilespmem:s28], [sflag:$0x1] =	stream.indirect.gather [hbm4b:s8+s10], $0x80, s30, s10, $0xb8;
	[tilespmem:$0x1AF00] =	vst v63  }
0x17f: {  	_ =	swait.ge [sflag:s13], $0x2800  }
0x180: {  	[sflag:s13] =	ssyncset.done $0x0  }
0x181: {  	[sflag:s13] =	ssyncadd.s32 $0xFFFFD800  }
0x182: {  	[spmem:s5] =	stream.indirect.scatter.add.f32 [tilespmem:s28], [sflag:$0x2], $0x80, s20, s10, $0xb8;
	[tilespmem:$0x1AF00] =	vst v63  }
0x183: {  	_ =	swait.ge [sflag:s17], $0x2800  }
0x184: {  	[sflag:s17] =	ssyncset.done $0x0  }
.Ltmp9:
0x185: {  	[sflag:s17] =	ssyncadd.s32 $0xFFFFD800;
	(pc) =	sbr.rel .LBB2_17-.Ltmp9, $4  }
0x186: {  	[spmem:s6] =	stream.indirect.scatter.add.f32 [tilespmem:s29], [sflag:$0x2], $0x1, s20, s10, $0xb8;
	[tilespmem:$0x1AF00] =	vst v63  }
0x187: {  	_ =	swait.ge [sflag:s17], $0x50  }
0x188: {  	[sflag:s17] =	ssyncset.done $0x0;
	s9 =	rddreg [dreg:$0x7]  }
0x189: {  	s0 =	rddreg [dreg:$0xa];
	[sflag:s17] =	ssyncadd.s32 $0xFFFFFFB0  }
.LBB2_14:
0x18a: {  	s0 =	sadd.s32 $0x0, s24  }
0x18b: {  	[tilespmem:s18], [sflag:$0x2] =	stream.linear.gather [hbm4b:s0+s7], $0x50, $0x38;
	[tilespmem:$0x1AF00] =	vst v63  }
0x18c: {  	_ =	swait.ge [sflag:s17], $0x50  }
0x18d: {  	[sflag:s17] =	ssyncset.done $0x0  }
0x18e: {  	s12 =	sadd.s32 $0x0, s23;
	[sflag:s17] =	ssyncadd.s32 $0xFFFFFFB0  }
0x18f: {  	[tilespmem:s20], [sflag:$0x2] =	stream.linear.gather [hbm4b:s12+s7], $0x50, $0x38;
	[tilespmem:$0x1AF00] =	vst v63  }
0x190: {  	_ =	swait.ge [sflag:s17], $0x50  }
0x191: {  	[sflag:s17] =	ssyncset.done $0x0  }
0x192: {  	[sflag:s17] =	ssyncadd.s32 $0xFFFFFFB0  }
0x193: {  	[tilespmem:s30], [sflag:$0x1] =	stream.indirect.gather [hbm4b:s4+s10], $0x1, s18, s10, $0xb8;
	[tilespmem:$0x1AF00] =	vst v63  }
0x194: {  	_ =	swait.ge [sflag:s13], $0x50  }
0x195: {  	[sflag:s13] =	ssyncset.done $0x0  }
0x196: {  	[sflag:s13] =	ssyncadd.s32 $0xFFFFFFB0  }
0x197: {  	[tilespmem:s28], [sflag:$0x1] =	stream.indirect.gather [hbm4b:s8+s10], $0x80, s30, s10, $0xb8;
	[tilespmem:$0x1AF00] =	vst v63  }
0x198: {  	_ =	swait.ge [sflag:s13], $0x2800  }
0x199: {  	[sflag:s13] =	ssyncset.done $0x0  }
0x19a: {  	[sflag:s13] =	ssyncadd.s32 $0xFFFFD800  }
0x19b: {  	[spmem:s5] =	stream.indirect.scatter.add.f32 [tilespmem:s28], [sflag:$0x2], $0x80, s20, s10, $0xb8;
	[tilespmem:$0x1AF00] =	vst v63  }
0x19c: {  	_ =	swait.ge [sflag:s17], $0x2800  }
0x19d: {  	[sflag:s17] =	ssyncset.done $0x0  }
0x19e: {  	[sflag:s17] =	ssyncadd.s32 $0xFFFFD800  }
0x19f: {  	[spmem:s6] =	stream.indirect.scatter.add.f32 [tilespmem:s29], [sflag:$0x2], $0x1, s20, s10, $0xb8;
	[tilespmem:$0x1AF00] =	vst v63  }
0x1a0: {  	_ =	swait.ge [sflag:s17], $0x50  }
0x1a1: {  	s9 =	simm.s32 $0x14;
	s0 =	simm.s32 $0xA;
	[sflag:s17] =	ssyncset.done $0x0  }
.LBB2_15:
0x1a2: {  	s2 =	sadd.s32 s0, s24  }
0x1a3: {  	[sflag:s17] =	ssyncadd.s32 $0xFFFFFFB0;
	s11 =	smov.u32 s9;
	s12 =	sadd.s32 $0xA, s9  }
0x1a4: {  	[tilespmem:s18], [sflag:$0x2] =	stream.linear.gather [hbm4b:s2+s7], $0x50, $0x38;
	[tilespmem:$0x1AF00] =	vst v63  }
0x1a5: {  	p1 =	sne.s32 s9, $0x636;
	_ =	swait.ge [sflag:s17], $0x50  }
0x1a6: {  	[sflag:s17] =	ssyncset.done $0x0  }
0x1a7: {  	s2 =	sadd.s32 s0, s23;
	s0 =	smov.u32 s11;
	[sflag:s17] =	ssyncadd.s32 $0xFFFFFFB0  }
0x1a8: {  	[tilespmem:s20], [sflag:$0x2] =	stream.linear.gather [hbm4b:s2+s7], $0x50, $0x38;
	[tilespmem:$0x1AF00] =	vst v63  }
0x1a9: {  	_ =	swait.ge [sflag:s17], $0x50  }
0x1aa: {  	[sflag:s17] =	ssyncset.done $0x0  }
0x1ab: {  	[sflag:s17] =	ssyncadd.s32 $0xFFFFFFB0  }
0x1ac: {  	[tilespmem:s30], [sflag:$0x1] =	stream.indirect.gather [hbm4b:s4+s10], $0x1, s18, s10, $0xb8;
	[tilespmem:$0x1AF00] =	vst v63  }
0x1ad: {  	_ =	swait.ge [sflag:s13], $0x50  }
0x1ae: {  	[sflag:s13] =	ssyncset.done $0x0  }
0x1af: {  	[sflag:s13] =	ssyncadd.s32 $0xFFFFFFB0  }
0x1b0: {  	[tilespmem:s28], [sflag:$0x1] =	stream.indirect.gather [hbm4b:s8+s10], $0x80, s30, s10, $0xb8;
	[tilespmem:$0x1AF00] =	vst v63  }
0x1b1: {  	_ =	swait.ge [sflag:s13], $0x2800  }
0x1b2: {  	[sflag:s13] =	ssyncset.done $0x0  }
0x1b3: {  	[sflag:s13] =	ssyncadd.s32 $0xFFFFD800  }
0x1b4: {  	[spmem:s5] =	stream.indirect.scatter.add.f32 [tilespmem:s28], [sflag:$0x2], $0x80, s20, s10, $0xb8;
	[tilespmem:$0x1AF00] =	vst v63  }
0x1b5: {  	_ =	swait.ge [sflag:s17], $0x2800  }
.Ltmp10:
0x1b6: {  	[sflag:s17] =	ssyncset.done $0x0;
	(pc) =	sbr.rel @p1 .LBB2_15-.Ltmp10, $4  }
0x1b7: {  	[sflag:s17] =	ssyncadd.s32 $0xFFFFD800  }
0x1b8: {  	[spmem:s6] =	stream.indirect.scatter.add.f32 [tilespmem:s29], [sflag:$0x2], $0x1, s20, s10, $0xb8;
	[tilespmem:$0x1AF00] =	vst v63  }
0x1b9: {  	_ =	swait.ge [sflag:s17], $0x50  }
0x1ba: {  	s9 =	smov.u32 s12;
	[sflag:s17] =	ssyncset.done $0x0  }
.Ltmp11:
0x1bb: {  	_ = 	snop;
	(pc) =	sbr.rel .LBB2_16-.Ltmp11, $1  }
0x1bc: {  	_ =	sdelay $0x3  }
.LBB2_18:
0x1bd: {  	_ =	sfence.sel $0x180000  }
0x1be: {  	[bflag:$0x0] =	sbarrier.arrive $0xFFFF  }
0x1bf: {  	_ =	strace $0x90000047  }
0x1c0: {  	s0 =	stileid.u32;
	[bflag:$0x2] =	sbarrier.arrive $0xFFFF  }
0x1c1: {  	p0 =	sne.s32 s0, $0x0;
	s0 =	rddreg [dreg:$0x6]  }
0x1c2: {  	s0 =	sadd.s32 @!p0 $0x100000, s0  }
0x1c3: {  	[sflag:s0] =	ssyncadd.tile.s32 @!p0 $0x1;
	_ =	shalt  }
.Lfunc_end2:
_tile_overlayer_lowered:
.L_overlay_start_2:
0x1c4: {  	(tag) =	ssettag $0x2  }
0x1c5: {  	s0 =	rddreg [dreg:$0x0];
	s2 =	stileid.u32  }
0x1c6: {  	s1 =	rddreg [dreg:$0x1];
	p0 =	sne.s32 s2, $0x0  }
0x1c7: {  	s3 =	rddreg [dreg:$0x2];
	[bflag:$0x3] =	sbarrier.arrive $0xFFFF;
	s2 =	simm.s32 @!p0 $0x1C02  }
0x1c8: {  	[timem:s3], [sflag:s2] =	dma.local @!p0 [hbm:s0], s1  }
0x1c9: {  	s0 =	simm.s32 @!p0 $0x2  }
0x1ca: {  	_ =	swait.ge @!p0 [sflag:s0], s1  }
0x1cb: {  	s1 =	ssub.s32 @!p0 $0x0, s1;
	[sflag:s0] =	ssyncset.done @!p0 $0x0  }
0x1cc: {  	[sflag:s0] =	ssyncadd.s32 @!p0 s1  }
0x1cd: {  	[bflag:$0x3] =	sbarrier.arrive $0xFFFF  }
0x1ce: {  	_ =	shalt  }

</sc_bundles>
